<compile_context>
chip_gen: v7x
topology: tpu7x:2x2x1
jax: 0.10.2.dev20260603
libtpu: 0.0.44.dev20260713+nightly
codegen_flags: <defaults>
</compile_context>

<pallas_src>
import functools

import jax
import jax.numpy as jnp
from jax import lax
from jax.experimental import pallas as pl
from jax.experimental.pallas import tpu as pltpu
from jax.experimental.pallas import tpu_sc as plsc

_NUM_BINS = 100000
_ROWS, _COLS = 16384, 100
_TOTAL = _ROWS * _COLS
_NC, _NS, _L = 2, 16, 16
_NW = _NC * _NS
_PER_W = _TOTAL // _NW
_NVEC = _PER_W // _L

def _hash16(x):
    c = jnp.uint32(0x45D9F3B)
    x = (x ^ (x >> 16)) * c
    x = (x ^ (x >> 16)) * c
    h = x ^ (x >> 16)
    xp = h >> 5
    a = xp >> 16
    b = xp & jnp.uint32(0xFFFF)
    mh = jnp.uint32(2684)
    ml = jnp.uint32(23237)
    mid = a * ml + b * mh + ((b * ml) >> 16)
    q = (a * mh + (mid >> 16)) >> 7
    return (h - q * jnp.uint32(_NUM_BINS)).astype(jnp.int32)


@functools.partial(
    pl.kernel,
    out_type=jax.ShapeDtypeStruct((_TOTAL,), jnp.int32),
    mesh=plsc.VectorSubcoreMesh(core_axis_name="c", subcore_axis_name="s"),
    scratch_types=[
        pltpu.VMEM((_PER_W,), jnp.int32),
        pltpu.VMEM((_PER_W,), jnp.int32),
    ],
)
def _hash_sc(x_hbm, out_hbm, in_v, out_v):
    wid = lax.axis_index("s") * _NC + lax.axis_index("c")
    base = wid * _PER_W
    pltpu.sync_copy(x_hbm.at[pl.ds(base, _PER_W)], in_v)

    @pl.loop(0, _NVEC, unroll=8)
    def _(i):
        x = in_v[pl.ds(i * _L, _L)].astype(jnp.uint32)
        out_v[pl.ds(i * _L, _L)] = _hash16(x)

    pltpu.sync_copy(out_v, out_hbm.at[pl.ds(base, _PER_W)])


def kernel(inputs):
    flat = inputs.reshape(_TOTAL)
    return _hash_sc(flat).reshape(_ROWS, _COLS)

# --- scband reference (transcript-rebuilt; emitter-appended) ---
"""Pipeline reference for scband-hashing-52604759441767 (READ-ONLY COPY).

The authoritative reference and input builder live on the scoring server;
editing this copy changes nothing except your own understanding.
"""

import jax, jax.numpy as jnp
import numpy as np

NUM_BINS = 100000


def _hash_u32(x):
    # Deterministic integer mixing hash (stand-in for tensorflow Fingerprint /
    # string_to_hash_bucket_fast). Uses uint32 splitmix-style avalanche.
    x = x.astype(jnp.uint32)
    x = (x ^ (x >> 16)) * jnp.uint32(0x45D9F3B)
    x = (x ^ (x >> 16)) * jnp.uint32(0x45D9F3B)
    x = x ^ (x >> 16)
    return x


def setup_inputs(seed: int = 0) -> dict:
    key = jax.random.key(seed)
    inputs = jax.random.randint(key, (16384, 100), 0, 1000000, dtype=jnp.int32)
    return {"inputs": inputs}


def reference(inputs):
    # Hashing layer: map each categorical id to a hash bucket in [0, NUM_BINS).
    h = _hash_u32(inputs)
    buckets = (h % jnp.uint32(NUM_BINS)).astype(jnp.int32)
    return buckets

if __name__ == "__main__":
    import jax
    _d = setup_inputs()
    print(jax.jit(kernel)(*tuple(_d.values())))

</pallas_src>

<mosaic_0001>
#map = affine_map<(d0, d1) -> (0)>
module attributes {stable_mosaic.version = 14 : i64} {
  func.func @_hash_sc(%arg0: i32, %arg1: i32, %arg2: memref<1638400xi32, #tpu.memory_space<hbm>>, %arg3: memref<1638400xi32, #tpu.memory_space<hbm>>, %arg4: memref<51200xi32, #tpu.memory_space<vmem>>, %arg5: memref<51200xi32, #tpu.memory_space<vmem>>) attributes {dimension_semantics = [#tpu.dimension_semantics<core_parallel>, #tpu.dimension_semantics<subcore_parallel>], iteration_bounds = array<i64: 2, 16>, scalar_prefetch = 0 : i64, scratch_operands = 2 : i64, tpu.core_type = #tpu.core_type<sc_vector_subcore>, window_params = [{transform_indices = #map}, {transform_indices = #map}]} {
    %mul3A = arith.constant 2 : i32
    %mul3A_0 = arith.muli %arg1, %mul3A : i32
    %add3A = arith.addi %mul3A_0, %arg0 : i32
    %mul3A_1 = arith.constant 51200 : i32
    %mul3A_2 = arith.muli %add3A, %mul3A_1 : i32
    "tpu.region"() ({
      %run_scoped3A = tpu.sem_alloc : memref<!tpu.dma_semaphore, #tpu.memory_space<semaphore_mem>>
      %dma_start3A = tpu.memref_slice %arg2[%mul3A_2] : memref<1638400xi32, #tpu.memory_space<hbm>> -> memref<51200xi32, #tpu.memory_space<hbm>>
      %dma_start3A_7 = tpu.memref_slice %arg2[%mul3A_2] : memref<1638400xi32, #tpu.memory_space<hbm>> -> memref<51200xi32, #tpu.memory_space<hbm>>
      tpu.enqueue_dma source(%dma_start3A_7 : memref<51200xi32, #tpu.memory_space<hbm>>) target(%arg4 : memref<51200xi32, #tpu.memory_space<vmem>>) target_semaphore(%run_scoped3A : memref<!tpu.dma_semaphore, #tpu.memory_space<semaphore_mem>>)
      %dma_wait3A = tpu.memref_slice %arg2[%mul3A_2] : memref<1638400xi32, #tpu.memory_space<hbm>> -> memref<51200xi32, #tpu.memory_space<hbm>>
      %dma_wait3A_8 = tpu.memref_slice %arg2[%mul3A_2] : memref<1638400xi32, #tpu.memory_space<hbm>> -> memref<51200xi32, #tpu.memory_space<hbm>>
      tpu.wait_dma2 semaphore(%run_scoped3A : memref<!tpu.dma_semaphore, #tpu.memory_space<semaphore_mem>>) src(%dma_wait3A_8 : memref<51200xi32, #tpu.memory_space<hbm>>) dst(%arg4 : memref<51200xi32, #tpu.memory_space<vmem>>)
      tpu.yield
    }) : () -> ()
    %scan3A = arith.constant 0 : i32
    %scan3A_3 = arith.constant 3200 : i32
    %scan3A_4 = arith.addi %scan3A, %scan3A_3 : i32
    %scan3A_5 = arith.constant 8 : i32
    scf.for %scan3A_7 = %scan3A to %scan3A_4 step %scan3A_5  : i32 {
      %mul3A_8 = arith.constant 1 : i32
      %mul3A_9 = arith.muli %scan3A_7, %mul3A_8 : i32
      %add3A_10 = arith.constant 0 : i32
      %add3A_11 = arith.addi %add3A_10, %mul3A_9 : i32
      %mul3A_12 = arith.constant 16 : i32
      %mul3A_13 = arith.muli %add3A_11, %mul3A_12 : i32
      %get3A = arith.index_cast %mul3A_13 : i32 to index
      %get3A_14 = tpu.vector_load %arg4[%get3A] {strides = array<i32>} : memref<51200xi32, #tpu.memory_space<vmem>>, vector<16xi32>,
      %get3A_15 = vector.shape_cast %get3A_14 : vector<16xi32> to vector<16xi32>
      %shift_right_logical3A = arith.constant 16 : i32
      %shift_right_logical3A_16 = vector.broadcast %shift_right_logical3A : i32 to vector<16xi32>
      %shift_right_logical3A_17 = arith.shrui %get3A_15, %shift_right_logical3A_16 : vector<16xi32>
      %xor3A = arith.xori %get3A_15, %shift_right_logical3A_17 : vector<16xi32>
      %mul3A_18 = arith.constant 73244475 : i32
      %mul3A_19 = vector.broadcast %mul3A_18 : i32 to vector<16xi32>
      %mul3A_20 = arith.muli %xor3A, %mul3A_19 : vector<16xi32>
      %shift_right_logical3A_21 = arith.constant 16 : i32
      %shift_right_logical3A_22 = vector.broadcast %shift_right_logical3A_21 : i32 to vector<16xi32>
      %shift_right_logical3A_23 = arith.shrui %mul3A_20, %shift_right_logical3A_22 : vector<16xi32>
      %xor3A_24 = arith.xori %mul3A_20, %shift_right_logical3A_23 : vector<16xi32>
      %mul3A_25 = arith.constant 73244475 : i32
      %mul3A_26 = vector.broadcast %mul3A_25 : i32 to vector<16xi32>
      %mul3A_27 = arith.muli %xor3A_24, %mul3A_26 : vector<16xi32>
      %shift_right_logical3A_28 = arith.constant 16 : i32
      %shift_right_logical3A_29 = vector.broadcast %shift_right_logical3A_28 : i32 to vector<16xi32>
      %shift_right_logical3A_30 = arith.shrui %mul3A_27, %shift_right_logical3A_29 : vector<16xi32>
      %xor3A_31 = arith.xori %mul3A_27, %shift_right_logical3A_30 : vector<16xi32>
      %shift_right_logical3A_32 = arith.constant 5 : i32
      %shift_right_logical3A_33 = vector.broadcast %shift_right_logical3A_32 : i32 to vector<16xi32>
      %shift_right_logical3A_34 = arith.shrui %xor3A_31, %shift_right_logical3A_33 : vector<16xi32>
      %shift_right_logical3A_35 = arith.constant 16 : i32
      %shift_right_logical3A_36 = vector.broadcast %shift_right_logical3A_35 : i32 to vector<16xi32>
      %shift_right_logical3A_37 = arith.shrui %shift_right_logical3A_34, %shift_right_logical3A_36 : vector<16xi32>
      %and3A = arith.constant 65535 : i32
      %and3A_38 = vector.broadcast %and3A : i32 to vector<16xi32>
      %and3A_39 = arith.andi %shift_right_logical3A_34, %and3A_38 : vector<16xi32>
      %mul3A_40 = arith.constant 23237 : i32
      %mul3A_41 = vector.broadcast %mul3A_40 : i32 to vector<16xi32>
      %mul3A_42 = arith.muli %shift_right_logical3A_37, %mul3A_41 : vector<16xi32>
      %mul3A_43 = arith.constant 2684 : i32
      %mul3A_44 = vector.broadcast %mul3A_43 : i32 to vector<16xi32>
      %mul3A_45 = arith.muli %and3A_39, %mul3A_44 : vector<16xi32>
      %add3A_46 = arith.addi %mul3A_42, %mul3A_45 : vector<16xi32>
      %mul3A_47 = arith.constant 23237 : i32
      %mul3A_48 = vector.broadcast %mul3A_47 : i32 to vector<16xi32>
      %mul3A_49 = arith.muli %and3A_39, %mul3A_48 : vector<16xi32>
      %shift_right_logical3A_50 = arith.constant 16 : i32
      %shift_right_logical3A_51 = vector.broadcast %shift_right_logical3A_50 : i32 to vector<16xi32>
      %shift_right_logical3A_52 = arith.shrui %mul3A_49, %shift_right_logical3A_51 : vector<16xi32>
      %add3A_53 = arith.addi %add3A_46, %shift_right_logical3A_52 : vector<16xi32>
      %mul3A_54 = arith.constant 2684 : i32
      %mul3A_55 = vector.broadcast %mul3A_54 : i32 to vector<16xi32>
      %mul3A_56 = arith.muli %shift_right_logical3A_37, %mul3A_55 : vector<16xi32>
      %shift_right_logical3A_57 = arith.constant 16 : i32
      %shift_right_logical3A_58 = vector.broadcast %shift_right_logical3A_57 : i32 to vector<16xi32>
      %shift_right_logical3A_59 = arith.shrui %add3A_53, %shift_right_logical3A_58 : vector<16xi32>
      %add3A_60 = arith.addi %mul3A_56, %shift_right_logical3A_59 : vector<16xi32>
      %shift_right_logical3A_61 = arith.constant 7 : i32
      %shift_right_logical3A_62 = vector.broadcast %shift_right_logical3A_61 : i32 to vector<16xi32>
      %shift_right_logical3A_63 = arith.shrui %add3A_60, %shift_right_logical3A_62 : vector<16xi32>
      %mul3A_64 = arith.constant 100000 : i32
      %mul3A_65 = vector.broadcast %mul3A_64 : i32 to vector<16xi32>
      %mul3A_66 = arith.muli %shift_right_logical3A_63, %mul3A_65 : vector<16xi32>
      %sub3A = arith.subi %xor3A_31, %mul3A_66 : vector<16xi32>
      %mul3A_67 = arith.constant 16 : i32
      %mul3A_68 = arith.muli %add3A_11, %mul3A_67 : i32
      %swap3A = arith.index_cast %mul3A_68 : i32 to index
      %swap3A_69 = tpu.vector_load %arg5[%swap3A] {strides = array<i32>} : memref<51200xi32, #tpu.memory_space<vmem>>, vector<16xi32>,
      %swap3A_70 = vector.shape_cast %swap3A_69 : vector<16xi32> to vector<16xi32>
      %swap3A_71 = vector.shape_cast %sub3A : vector<16xi32> to vector<16xi32>
      tpu.vector_store %arg5[%swap3A], %swap3A_71 {strides = array<i32>} : memref<51200xi32, #tpu.memory_space<vmem>>, vector<16xi32>,
      %scan3A_72 = arith.constant 1 : i32
      %scan3A_73 = arith.addi %scan3A_7, %scan3A_72 : i32
      %mul3A_74 = arith.constant 1 : i32
      %mul3A_75 = arith.muli %scan3A_73, %mul3A_74 : i32
      %add3A_76 = arith.constant 0 : i32
      %add3A_77 = arith.addi %add3A_76, %mul3A_75 : i32
      %mul3A_78 = arith.constant 16 : i32
      %mul3A_79 = arith.muli %add3A_77, %mul3A_78 : i32
      %get3A_80 = arith.index_cast %mul3A_79 : i32 to index
      %get3A_81 = tpu.vector_load %arg4[%get3A_80] {strides = array<i32>} : memref<51200xi32, #tpu.memory_space<vmem>>, vector<16xi32>,
      %get3A_82 = vector.shape_cast %get3A_81 : vector<16xi32> to vector<16xi32>
      %shift_right_logical3A_83 = arith.constant 16 : i32
      %shift_right_logical3A_84 = vector.broadcast %shift_right_logical3A_83 : i32 to vector<16xi32>
      %shift_right_logical3A_85 = arith.shrui %get3A_82, %shift_right_logical3A_84 : vector<16xi32>
      %xor3A_86 = arith.xori %get3A_82, %shift_right_logical3A_85 : vector<16xi32>
      %mul3A_87 = arith.constant 73244475 : i32
      %mul3A_88 = vector.broadcast %mul3A_87 : i32 to vector<16xi32>
      %mul3A_89 = arith.muli %xor3A_86, %mul3A_88 : vector<16xi32>
      %shift_right_logical3A_90 = arith.constant 16 : i32
      %shift_right_logical3A_91 = vector.broadcast %shift_right_logical3A_90 : i32 to vector<16xi32>
      %shift_right_logical3A_92 = arith.shrui %mul3A_89, %shift_right_logical3A_91 : vector<16xi32>
      %xor3A_93 = arith.xori %mul3A_89, %shift_right_logical3A_92 : vector<16xi32>
      %mul3A_94 = arith.constant 73244475 : i32
      %mul3A_95 = vector.broadcast %mul3A_94 : i32 to vector<16xi32>
      %mul3A_96 = arith.muli %xor3A_93, %mul3A_95 : vector<16xi32>
      %shift_right_logical3A_97 = arith.constant 16 : i32
      %shift_right_logical3A_98 = vector.broadcast %shift_right_logical3A_97 : i32 to vector<16xi32>
      %shift_right_logical3A_99 = arith.shrui %mul3A_96, %shift_right_logical3A_98 : vector<16xi32>
      %xor3A_100 = arith.xori %mul3A_96, %shift_right_logical3A_99 : vector<16xi32>
      %shift_right_logical3A_101 = arith.constant 5 : i32
      %shift_right_logical3A_102 = vector.broadcast %shift_right_logical3A_101 : i32 to vector<16xi32>
      %shift_right_logical3A_103 = arith.shrui %xor3A_100, %shift_right_logical3A_102 : vector<16xi32>
      %shift_right_logical3A_104 = arith.constant 16 : i32
      %shift_right_logical3A_105 = vector.broadcast %shift_right_logical3A_104 : i32 to vector<16xi32>
      %shift_right_logical3A_106 = arith.shrui %shift_right_logical3A_103, %shift_right_logical3A_105 : vector<16xi32>
      %and3A_107 = arith.constant 65535 : i32
      %and3A_108 = vector.broadcast %and3A_107 : i32 to vector<16xi32>
      %and3A_109 = arith.andi %shift_right_logical3A_103, %and3A_108 : vector<16xi32>
      %mul3A_110 = arith.constant 23237 : i32
      %mul3A_111 = vector.broadcast %mul3A_110 : i32 to vector<16xi32>
      %mul3A_112 = arith.muli %shift_right_logical3A_106, %mul3A_111 : vector<16xi32>
      %mul3A_113 = arith.constant 2684 : i32
      %mul3A_114 = vector.broadcast %mul3A_113 : i32 to vector<16xi32>
      %mul3A_115 = arith.muli %and3A_109, %mul3A_114 : vector<16xi32>
      %add3A_116 = arith.addi %mul3A_112, %mul3A_115 : vector<16xi32>
      %mul3A_117 = arith.constant 23237 : i32
      %mul3A_118 = vector.broadcast %mul3A_117 : i32 to vector<16xi32>
      %mul3A_119 = arith.muli %and3A_109, %mul3A_118 : vector<16xi32>
      %shift_right_logical3A_120 = arith.constant 16 : i32
      %shift_right_logical3A_121 = vector.broadcast %shift_right_logical3A_120 : i32 to vector<16xi32>
      %shift_right_logical3A_122 = arith.shrui %mul3A_119, %shift_right_logical3A_121 : vector<16xi32>
      %add3A_123 = arith.addi %add3A_116, %shift_right_logical3A_122 : vector<16xi32>
      %mul3A_124 = arith.constant 2684 : i32
      %mul3A_125 = vector.broadcast %mul3A_124 : i32 to vector<16xi32>
      %mul3A_126 = arith.muli %shift_right_logical3A_106, %mul3A_125 : vector<16xi32>
      %shift_right_logical3A_127 = arith.constant 16 : i32
      %shift_right_logical3A_128 = vector.broadcast %shift_right_logical3A_127 : i32 to vector<16xi32>
      %shift_right_logical3A_129 = arith.shrui %add3A_123, %shift_right_logical3A_128 : vector<16xi32>
      %add3A_130 = arith.addi %mul3A_126, %shift_right_logical3A_129 : vector<16xi32>
      %shift_right_logical3A_131 = arith.constant 7 : i32
      %shift_right_logical3A_132 = vector.broadcast %shift_right_logical3A_131 : i32 to vector<16xi32>
      %shift_right_logical3A_133 = arith.shrui %add3A_130, %shift_right_logical3A_132 : vector<16xi32>
      %mul3A_134 = arith.constant 100000 : i32
      %mul3A_135 = vector.broadcast %mul3A_134 : i32 to vector<16xi32>
      %mul3A_136 = arith.muli %shift_right_logical3A_133, %mul3A_135 : vector<16xi32>
      %sub3A_137 = arith.subi %xor3A_100, %mul3A_136 : vector<16xi32>
      %mul3A_138 = arith.constant 16 : i32
      %mul3A_139 = arith.muli %add3A_77, %mul3A_138 : i32
      %swap3A_140 = arith.index_cast %mul3A_139 : i32 to index
      %swap3A_141 = tpu.vector_load %arg5[%swap3A_140] {strides = array<i32>} : memref<51200xi32, #tpu.memory_space<vmem>>, vector<16xi32>,
      %swap3A_142 = vector.shape_cast %swap3A_141 : vector<16xi32> to vector<16xi32>
      %swap3A_143 = vector.shape_cast %sub3A_137 : vector<16xi32> to vector<16xi32>
      tpu.vector_store %arg5[%swap3A_140], %swap3A_143 {strides = array<i32>} : memref<51200xi32, #tpu.memory_space<vmem>>, vector<16xi32>,
      %scan3A_144 = arith.constant 2 : i32
      %scan3A_145 = arith.addi %scan3A_7, %scan3A_144 : i32
      %mul3A_146 = arith.constant 1 : i32
      %mul3A_147 = arith.muli %scan3A_145, %mul3A_146 : i32
      %add3A_148 = arith.constant 0 : i32
      %add3A_149 = arith.addi %add3A_148, %mul3A_147 : i32
      %mul3A_150 = arith.constant 16 : i32
      %mul3A_151 = arith.muli %add3A_149, %mul3A_150 : i32
      %get3A_152 = arith.index_cast %mul3A_151 : i32 to index
      %get3A_153 = tpu.vector_load %arg4[%get3A_152] {strides = array<i32>} : memref<51200xi32, #tpu.memory_space<vmem>>, vector<16xi32>,
      %get3A_154 = vector.shape_cast %get3A_153 : vector<16xi32> to vector<16xi32>
      %shift_right_logical3A_155 = arith.constant 16 : i32
      %shift_right_logical3A_156 = vector.broadcast %shift_right_logical3A_155 : i32 to vector<16xi32>
      %shift_right_logical3A_157 = arith.shrui %get3A_154, %shift_right_logical3A_156 : vector<16xi32>
      %xor3A_158 = arith.xori %get3A_154, %shift_right_logical3A_157 : vector<16xi32>
      %mul3A_159 = arith.constant 73244475 : i32
      %mul3A_160 = vector.broadcast %mul3A_159 : i32 to vector<16xi32>
      %mul3A_161 = arith.muli %xor3A_158, %mul3A_160 : vector<16xi32>
      %shift_right_logical3A_162 = arith.constant 16 : i32
      %shift_right_logical3A_163 = vector.broadcast %shift_right_logical3A_162 : i32 to vector<16xi32>
      %shift_right_logical3A_164 = arith.shrui %mul3A_161, %shift_right_logical3A_163 : vector<16xi32>
      %xor3A_165 = arith.xori %mul3A_161, %shift_right_logical3A_164 : vector<16xi32>
      %mul3A_166 = arith.constant 73244475 : i32
      %mul3A_167 = vector.broadcast %mul3A_166 : i32 to vector<16xi32>
      %mul3A_168 = arith.muli %xor3A_165, %mul3A_167 : vector<16xi32>
      %shift_right_logical3A_169 = arith.constant 16 : i32
      %shift_right_logical3A_170 = vector.broadcast %shift_right_logical3A_169 : i32 to vector<16xi32>
      %shift_right_logical3A_171 = arith.shrui %mul3A_168, %shift_right_logical3A_170 : vector<16xi32>
      %xor3A_172 = arith.xori %mul3A_168, %shift_right_logical3A_171 : vector<16xi32>
      %shift_right_logical3A_173 = arith.constant 5 : i32
      %shift_right_logical3A_174 = vector.broadcast %shift_right_logical3A_173 : i32 to vector<16xi32>
      %shift_right_logical3A_175 = arith.shrui %xor3A_172, %shift_right_logical3A_174 : vector<16xi32>
      %shift_right_logical3A_176 = arith.constant 16 : i32
      %shift_right_logical3A_177 = vector.broadcast %shift_right_logical3A_176 : i32 to vector<16xi32>
      %shift_right_logical3A_178 = arith.shrui %shift_right_logical3A_175, %shift_right_logical3A_177 : vector<16xi32>
      %and3A_179 = arith.constant 65535 : i32
      %and3A_180 = vector.broadcast %and3A_179 : i32 to vector<16xi32>
      %and3A_181 = arith.andi %shift_right_logical3A_175, %and3A_180 : vector<16xi32>
      %mul3A_182 = arith.constant 23237 : i32
      %mul3A_183 = vector.broadcast %mul3A_182 : i32 to vector<16xi32>
      %mul3A_184 = arith.muli %shift_right_logical3A_178, %mul3A_183 : vector<16xi32>
      %mul3A_185 = arith.constant 2684 : i32
      %mul3A_186 = vector.broadcast %mul3A_185 : i32 to vector<16xi32>
      %mul3A_187 = arith.muli %and3A_181, %mul3A_186 : vector<16xi32>
      %add3A_188 = arith.addi %mul3A_184, %mul3A_187 : vector<16xi32>
      %mul3A_189 = arith.constant 23237 : i32
      %mul3A_190 = vector.broadcast %mul3A_189 : i32 to vector<16xi32>
      %mul3A_191 = arith.muli %and3A_181, %mul3A_190 : vector<16xi32>
      %shift_right_logical3A_192 = arith.constant 16 : i32
      %shift_right_logical3A_193 = vector.broadcast %shift_right_logical3A_192 : i32 to vector<16xi32>
      %shift_right_logical3A_194 = arith.shrui %mul3A_191, %shift_right_logical3A_193 : vector<16xi32>
      %add3A_195 = arith.addi %add3A_188, %shift_right_logical3A_194 : vector<16xi32>
      %mul3A_196 = arith.constant 2684 : i32
      %mul3A_197 = vector.broadcast %mul3A_196 : i32 to vector<16xi32>
      %mul3A_198 = arith.muli %shift_right_logical3A_178, %mul3A_197 : vector<16xi32>
      %shift_right_logical3A_199 = arith.constant 16 : i32
      %shift_right_logical3A_200 = vector.broadcast %shift_right_logical3A_199 : i32 to vector<16xi32>
      %shift_right_logical3A_201 = arith.shrui %add3A_195, %shift_right_logical3A_200 : vector<16xi32>
      %add3A_202 = arith.addi %mul3A_198, %shift_right_logical3A_201 : vector<16xi32>
      %shift_right_logical3A_203 = arith.constant 7 : i32
      %shift_right_logical3A_204 = vector.broadcast %shift_right_logical3A_203 : i32 to vector<16xi32>
      %shift_right_logical3A_205 = arith.shrui %add3A_202, %shift_right_logical3A_204 : vector<16xi32>
      %mul3A_206 = arith.constant 100000 : i32
      %mul3A_207 = vector.broadcast %mul3A_206 : i32 to vector<16xi32>
      %mul3A_208 = arith.muli %shift_right_logical3A_205, %mul3A_207 : vector<16xi32>
      %sub3A_209 = arith.subi %xor3A_172, %mul3A_208 : vector<16xi32>
      %mul3A_210 = arith.constant 16 : i32
      %mul3A_211 = arith.muli %add3A_149, %mul3A_210 : i32
      %swap3A_212 = arith.index_cast %mul3A_211 : i32 to index
      %swap3A_213 = tpu.vector_load %arg5[%swap3A_212] {strides = array<i32>} : memref<51200xi32, #tpu.memory_space<vmem>>, vector<16xi32>,
      %swap3A_214 = vector.shape_cast %swap3A_213 : vector<16xi32> to vector<16xi32>
      %swap3A_215 = vector.shape_cast %sub3A_209 : vector<16xi32> to vector<16xi32>
      tpu.vector_store %arg5[%swap3A_212], %swap3A_215 {strides = array<i32>} : memref<51200xi32, #tpu.memory_space<vmem>>, vector<16xi32>,
      %scan3A_216 = arith.constant 3 : i32
      %scan3A_217 = arith.addi %scan3A_7, %scan3A_216 : i32
      %mul3A_218 = arith.constant 1 : i32
      %mul3A_219 = arith.muli %scan3A_217, %mul3A_218 : i32
      %add3A_220 = arith.constant 0 : i32
      %add3A_221 = arith.addi %add3A_220, %mul3A_219 : i32
      %mul3A_222 = arith.constant 16 : i32
      %mul3A_223 = arith.muli %add3A_221, %mul3A_222 : i32
      %get3A_224 = arith.index_cast %mul3A_223 : i32 to index
      %get3A_225 = tpu.vector_load %arg4[%get3A_224] {strides = array<i32>} : memref<51200xi32, #tpu.memory_space<vmem>>, vector<16xi32>,
      %get3A_226 = vector.shape_cast %get3A_225 : vector<16xi32> to vector<16xi32>
      %shift_right_logical3A_227 = arith.constant 16 : i32
      %shift_right_logical3A_228 = vector.broadcast %shift_right_logical3A_227 : i32 to vector<16xi32>
      %shift_right_logical3A_229 = arith.shrui %get3A_226, %shift_right_logical3A_228 : vector<16xi32>
      %xor3A_230 = arith.xori %get3A_226, %shift_right_logical3A_229 : vector<16xi32>
      %mul3A_231 = arith.constant 73244475 : i32
      %mul3A_232 = vector.broadcast %mul3A_231 : i32 to vector<16xi32>
      %mul3A_233 = arith.muli %xor3A_230, %mul3A_232 : vector<16xi32>
      %shift_right_logical3A_234 = arith.constant 16 : i32
      %shift_right_logical3A_235 = vector.broadcast %shift_right_logical3A_234 : i32 to vector<16xi32>
      %shift_right_logical3A_236 = arith.shrui %mul3A_233, %shift_right_logical3A_235 : vector<16xi32>
      %xor3A_237 = arith.xori %mul3A_233, %shift_right_logical3A_236 : vector<16xi32>
      %mul3A_238 = arith.constant 73244475 : i32
      %mul3A_239 = vector.broadcast %mul3A_238 : i32 to vector<16xi32>
      %mul3A_240 = arith.muli %xor3A_237, %mul3A_239 : vector<16xi32>
      %shift_right_logical3A_241 = arith.constant 16 : i32
      %shift_right_logical3A_242 = vector.broadcast %shift_right_logical3A_241 : i32 to vector<16xi32>
      %shift_right_logical3A_243 = arith.shrui %mul3A_240, %shift_right_logical3A_242 : vector<16xi32>
      %xor3A_244 = arith.xori %mul3A_240, %shift_right_logical3A_243 : vector<16xi32>
      %shift_right_logical3A_245 = arith.constant 5 : i32
      %shift_right_logical3A_246 = vector.broadcast %shift_right_logical3A_245 : i32 to vector<16xi32>
      %shift_right_logical3A_247 = arith.shrui %xor3A_244, %shift_right_logical3A_246 : vector<16xi32>
      %shift_right_logical3A_248 = arith.constant 16 : i32
      %shift_right_logical3A_249 = vector.broadcast %shift_right_logical3A_248 : i32 to vector<16xi32>
      %shift_right_logical3A_250 = arith.shrui %shift_right_logical3A_247, %shift_right_logical3A_249 : vector<16xi32>
      %and3A_251 = arith.constant 65535 : i32
      %and3A_252 = vector.broadcast %and3A_251 : i32 to vector<16xi32>
      %and3A_253 = arith.andi %shift_right_logical3A_247, %and3A_252 : vector<16xi32>
      %mul3A_254 = arith.constant 23237 : i32
      %mul3A_255 = vector.broadcast %mul3A_254 : i32 to vector<16xi32>
      %mul3A_256 = arith.muli %shift_right_logical3A_250, %mul3A_255 : vector<16xi32>
      %mul3A_257 = arith.constant 2684 : i32
      %mul3A_258 = vector.broadcast %mul3A_257 : i32 to vector<16xi32>
      %mul3A_259 = arith.muli %and3A_253, %mul3A_258 : vector<16xi32>
      %add3A_260 = arith.addi %mul3A_256, %mul3A_259 : vector<16xi32>
      %mul3A_261 = arith.constant 23237 : i32
      %mul3A_262 = vector.broadcast %mul3A_261 : i32 to vector<16xi32>
      %mul3A_263 = arith.muli %and3A_253, %mul3A_262 : vector<16xi32>
      %shift_right_logical3A_264 = arith.constant 16 : i32
      %shift_right_logical3A_265 = vector.broadcast %shift_right_logical3A_264 : i32 to vector<16xi32>
      %shift_right_logical3A_266 = arith.shrui %mul3A_263, %shift_right_logical3A_265 : vector<16xi32>
      %add3A_267 = arith.addi %add3A_260, %shift_right_logical3A_266 : vector<16xi32>
      %mul3A_268 = arith.constant 2684 : i32
      %mul3A_269 = vector.broadcast %mul3A_268 : i32 to vector<16xi32>
      %mul3A_270 = arith.muli %shift_right_logical3A_250, %mul3A_269 : vector<16xi32>
      %shift_right_logical3A_271 = arith.constant 16 : i32
      %shift_right_logical3A_272 = vector.broadcast %shift_right_logical3A_271 : i32 to vector<16xi32>
      %shift_right_logical3A_273 = arith.shrui %add3A_267, %shift_right_logical3A_272 : vector<16xi32>
      %add3A_274 = arith.addi %mul3A_270, %shift_right_logical3A_273 : vector<16xi32>
      %shift_right_logical3A_275 = arith.constant 7 : i32
      %shift_right_logical3A_276 = vector.broadcast %shift_right_logical3A_275 : i32 to vector<16xi32>
      %shift_right_logical3A_277 = arith.shrui %add3A_274, %shift_right_logical3A_276 : vector<16xi32>
      %mul3A_278 = arith.constant 100000 : i32
      %mul3A_279 = vector.broadcast %mul3A_278 : i32 to vector<16xi32>
      %mul3A_280 = arith.muli %shift_right_logical3A_277, %mul3A_279 : vector<16xi32>
      %sub3A_281 = arith.subi %xor3A_244, %mul3A_280 : vector<16xi32>
      %mul3A_282 = arith.constant 16 : i32
      %mul3A_283 = arith.muli %add3A_221, %mul3A_282 : i32
      %swap3A_284 = arith.index_cast %mul3A_283 : i32 to index
      %swap3A_285 = tpu.vector_load %arg5[%swap3A_284] {strides = array<i32>} : memref<51200xi32, #tpu.memory_space<vmem>>, vector<16xi32>,
      %swap3A_286 = vector.shape_cast %swap3A_285 : vector<16xi32> to vector<16xi32>
      %swap3A_287 = vector.shape_cast %sub3A_281 : vector<16xi32> to vector<16xi32>
      tpu.vector_store %arg5[%swap3A_284], %swap3A_287 {strides = array<i32>} : memref<51200xi32, #tpu.memory_space<vmem>>, vector<16xi32>,
      %scan3A_288 = arith.constant 4 : i32
      %scan3A_289 = arith.addi %scan3A_7, %scan3A_288 : i32
      %mul3A_290 = arith.constant 1 : i32
      %mul3A_291 = arith.muli %scan3A_289, %mul3A_290 : i32
      %add3A_292 = arith.constant 0 : i32
      %add3A_293 = arith.addi %add3A_292, %mul3A_291 : i32
      %mul3A_294 = arith.constant 16 : i32
      %mul3A_295 = arith.muli %add3A_293, %mul3A_294 : i32
      %get3A_296 = arith.index_cast %mul3A_295 : i32 to index
      %get3A_297 = tpu.vector_load %arg4[%get3A_296] {strides = array<i32>} : memref<51200xi32, #tpu.memory_space<vmem>>, vector<16xi32>,
      %get3A_298 = vector.shape_cast %get3A_297 : vector<16xi32> to vector<16xi32>
      %shift_right_logical3A_299 = arith.constant 16 : i32
      %shift_right_logical3A_300 = vector.broadcast %shift_right_logical3A_299 : i32 to vector<16xi32>
      %shift_right_logical3A_301 = arith.shrui %get3A_298, %shift_right_logical3A_300 : vector<16xi32>
      %xor3A_302 = arith.xori %get3A_298, %shift_right_logical3A_301 : vector<16xi32>
      %mul3A_303 = arith.constant 73244475 : i32
      %mul3A_304 = vector.broadcast %mul3A_303 : i32 to vector<16xi32>
      %mul3A_305 = arith.muli %xor3A_302, %mul3A_304 : vector<16xi32>
      %shift_right_logical3A_306 = arith.constant 16 : i32
      %shift_right_logical3A_307 = vector.broadcast %shift_right_logical3A_306 : i32 to vector<16xi32>
      %shift_right_logical3A_308 = arith.shrui %mul3A_305, %shift_right_logical3A_307 : vector<16xi32>
      %xor3A_309 = arith.xori %mul3A_305, %shift_right_logical3A_308 : vector<16xi32>
      %mul3A_310 = arith.constant 73244475 : i32
      %mul3A_311 = vector.broadcast %mul3A_310 : i32 to vector<16xi32>
      %mul3A_312 = arith.muli %xor3A_309, %mul3A_311 : vector<16xi32>
      %shift_right_logical3A_313 = arith.constant 16 : i32
      %shift_right_logical3A_314 = vector.broadcast %shift_right_logical3A_313 : i32 to vector<16xi32>
      %shift_right_logical3A_315 = arith.shrui %mul3A_312, %shift_right_logical3A_314 : vector<16xi32>
      %xor3A_316 = arith.xori %mul3A_312, %shift_right_logical3A_315 : vector<16xi32>
      %shift_right_logical3A_317 = arith.constant 5 : i32
      %shift_right_logical3A_318 = vector.broadcast %shift_right_logical3A_317 : i32 to vector<16xi32>
      %shift_right_logical3A_319 = arith.shrui %xor3A_316, %shift_right_logical3A_318 : vector<16xi32>
      %shift_right_logical3A_320 = arith.constant 16 : i32
      %shift_right_logical3A_321 = vector.broadcast %shift_right_logical3A_320 : i32 to vector<16xi32>
      %shift_right_logical3A_322 = arith.shrui %shift_right_logical3A_319, %shift_right_logical3A_321 : vector<16xi32>
      %and3A_323 = arith.constant 65535 : i32
      %and3A_324 = vector.broadcast %and3A_323 : i32 to vector<16xi32>
      %and3A_325 = arith.andi %shift_right_logical3A_319, %and3A_324 : vector<16xi32>
      %mul3A_326 = arith.constant 23237 : i32
      %mul3A_327 = vector.broadcast %mul3A_326 : i32 to vector<16xi32>
      %mul3A_328 = arith.muli %shift_right_logical3A_322, %mul3A_327 : vector<16xi32>
      %mul3A_329 = arith.constant 2684 : i32
      %mul3A_330 = vector.broadcast %mul3A_329 : i32 to vector<16xi32>
      %mul3A_331 = arith.muli %and3A_325, %mul3A_330 : vector<16xi32>
      %add3A_332 = arith.addi %mul3A_328, %mul3A_331 : vector<16xi32>
      %mul3A_333 = arith.constant 23237 : i32
      %mul3A_334 = vector.broadcast %mul3A_333 : i32 to vector<16xi32>
      %mul3A_335 = arith.muli %and3A_325, %mul3A_334 : vector<16xi32>
      %shift_right_logical3A_336 = arith.constant 16 : i32
      %shift_right_logical3A_337 = vector.broadcast %shift_right_logical3A_336 : i32 to vector<16xi32>
      %shift_right_logical3A_338 = arith.shrui %mul3A_335, %shift_right_logical3A_337 : vector<16xi32>
      %add3A_339 = arith.addi %add3A_332, %shift_right_logical3A_338 : vector<16xi32>
      %mul3A_340 = arith.constant 2684 : i32
      %mul3A_341 = vector.broadcast %mul3A_340 : i32 to vector<16xi32>
      %mul3A_342 = arith.muli %shift_right_logical3A_322, %mul3A_341 : vector<16xi32>
      %shift_right_logical3A_343 = arith.constant 16 : i32
      %shift_right_logical3A_344 = vector.broadcast %shift_right_logical3A_343 : i32 to vector<16xi32>
      %shift_right_logical3A_345 = arith.shrui %add3A_339, %shift_right_logical3A_344 : vector<16xi32>
      %add3A_346 = arith.addi %mul3A_342, %shift_right_logical3A_345 : vector<16xi32>
      %shift_right_logical3A_347 = arith.constant 7 : i32
      %shift_right_logical3A_348 = vector.broadcast %shift_right_logical3A_347 : i32 to vector<16xi32>
      %shift_right_logical3A_349 = arith.shrui %add3A_346, %shift_right_logical3A_348 : vector<16xi32>
      %mul3A_350 = arith.constant 100000 : i32
      %mul3A_351 = vector.broadcast %mul3A_350 : i32 to vector<16xi32>
      %mul3A_352 = arith.muli %shift_right_logical3A_349, %mul3A_351 : vector<16xi32>
      %sub3A_353 = arith.subi %xor3A_316, %mul3A_352 : vector<16xi32>
      %mul3A_354 = arith.constant 16 : i32
      %mul3A_355 = arith.muli %add3A_293, %mul3A_354 : i32
      %swap3A_356 = arith.index_cast %mul3A_355 : i32 to index
      %swap3A_357 = tpu.vector_load %arg5[%swap3A_356] {strides = array<i32>} : memref<51200xi32, #tpu.memory_space<vmem>>, vector<16xi32>,
      %swap3A_358 = vector.shape_cast %swap3A_357 : vector<16xi32> to vector<16xi32>
      %swap3A_359 = vector.shape_cast %sub3A_353 : vector<16xi32> to vector<16xi32>
      tpu.vector_store %arg5[%swap3A_356], %swap3A_359 {strides = array<i32>} : memref<51200xi32, #tpu.memory_space<vmem>>, vector<16xi32>,
      %scan3A_360 = arith.constant 5 : i32
      %scan3A_361 = arith.addi %scan3A_7, %scan3A_360 : i32
      %mul3A_362 = arith.constant 1 : i32
      %mul3A_363 = arith.muli %scan3A_361, %mul3A_362 : i32
      %add3A_364 = arith.constant 0 : i32
      %add3A_365 = arith.addi %add3A_364, %mul3A_363 : i32
      %mul3A_366 = arith.constant 16 : i32
      %mul3A_367 = arith.muli %add3A_365, %mul3A_366 : i32
      %get3A_368 = arith.index_cast %mul3A_367 : i32 to index
      %get3A_369 = tpu.vector_load %arg4[%get3A_368] {strides = array<i32>} : memref<51200xi32, #tpu.memory_space<vmem>>, vector<16xi32>,
      %get3A_370 = vector.shape_cast %get3A_369 : vector<16xi32> to vector<16xi32>
      %shift_right_logical3A_371 = arith.constant 16 : i32
      %shift_right_logical3A_372 = vector.broadcast %shift_right_logical3A_371 : i32 to vector<16xi32>
      %shift_right_logical3A_373 = arith.shrui %get3A_370, %shift_right_logical3A_372 : vector<16xi32>
      %xor3A_374 = arith.xori %get3A_370, %shift_right_logical3A_373 : vector<16xi32>
      %mul3A_375 = arith.constant 73244475 : i32
      %mul3A_376 = vector.broadcast %mul3A_375 : i32 to vector<16xi32>
      %mul3A_377 = arith.muli %xor3A_374, %mul3A_376 : vector<16xi32>
      %shift_right_logical3A_378 = arith.constant 16 : i32
      %shift_right_logical3A_379 = vector.broadcast %shift_right_logical3A_378 : i32 to vector<16xi32>
      %shift_right_logical3A_380 = arith.shrui %mul3A_377, %shift_right_logical3A_379 : vector<16xi32>
      %xor3A_381 = arith.xori %mul3A_377, %shift_right_logical3A_380 : vector<16xi32>
      %mul3A_382 = arith.constant 73244475 : i32
      %mul3A_383 = vector.broadcast %mul3A_382 : i32 to vector<16xi32>
      %mul3A_384 = arith.muli %xor3A_381, %mul3A_383 : vector<16xi32>
      %shift_right_logical3A_385 = arith.constant 16 : i32
      %shift_right_logical3A_386 = vector.broadcast %shift_right_logical3A_385 : i32 to vector<16xi32>
      %shift_right_logical3A_387 = arith.shrui %mul3A_384, %shift_right_logical3A_386 : vector<16xi32>
      %xor3A_388 = arith.xori %mul3A_384, %shift_right_logical3A_387 : vector<16xi32>
      %shift_right_logical3A_389 = arith.constant 5 : i32
      %shift_right_logical3A_390 = vector.broadcast %shift_right_logical3A_389 : i32 to vector<16xi32>
      %shift_right_logical3A_391 = arith.shrui %xor3A_388, %shift_right_logical3A_390 : vector<16xi32>
      %shift_right_logical3A_392 = arith.constant 16 : i32
      %shift_right_logical3A_393 = vector.broadcast %shift_right_logical3A_392 : i32 to vector<16xi32>
      %shift_right_logical3A_394 = arith.shrui %shift_right_logical3A_391, %shift_right_logical3A_393 : vector<16xi32>
      %and3A_395 = arith.constant 65535 : i32
      %and3A_396 = vector.broadcast %and3A_395 : i32 to vector<16xi32>
      %and3A_397 = arith.andi %shift_right_logical3A_391, %and3A_396 : vector<16xi32>
      %mul3A_398 = arith.constant 23237 : i32
      %mul3A_399 = vector.broadcast %mul3A_398 : i32 to vector<16xi32>
      %mul3A_400 = arith.muli %shift_right_logical3A_394, %mul3A_399 : vector<16xi32>
      %mul3A_401 = arith.constant 2684 : i32
      %mul3A_402 = vector.broadcast %mul3A_401 : i32 to vector<16xi32>
      %mul3A_403 = arith.muli %and3A_397, %mul3A_402 : vector<16xi32>
      %add3A_404 = arith.addi %mul3A_400, %mul3A_403 : vector<16xi32>
      %mul3A_405 = arith.constant 23237 : i32
      %mul3A_406 = vector.broadcast %mul3A_405 : i32 to vector<16xi32>
      %mul3A_407 = arith.muli %and3A_397, %mul3A_406 : vector<16xi32>
      %shift_right_logical3A_408 = arith.constant 16 : i32
      %shift_right_logical3A_409 = vector.broadcast %shift_right_logical3A_408 : i32 to vector<16xi32>
      %shift_right_logical3A_410 = arith.shrui %mul3A_407, %shift_right_logical3A_409 : vector<16xi32>
      %add3A_411 = arith.addi %add3A_404, %shift_right_logical3A_410 : vector<16xi32>
      %mul3A_412 = arith.constant 2684 : i32
      %mul3A_413 = vector.broadcast %mul3A_412 : i32 to vector<16xi32>
      %mul3A_414 = arith.muli %shift_right_logical3A_394, %mul3A_413 : vector<16xi32>
      %shift_right_logical3A_415 = arith.constant 16 : i32
      %shift_right_logical3A_416 = vector.broadcast %shift_right_logical3A_415 : i32 to vector<16xi32>
      %shift_right_logical3A_417 = arith.shrui %add3A_411, %shift_right_logical3A_416 : vector<16xi32>
      %add3A_418 = arith.addi %mul3A_414, %shift_right_logical3A_417 : vector<16xi32>
      %shift_right_logical3A_419 = arith.constant 7 : i32
      %shift_right_logical3A_420 = vector.broadcast %shift_right_logical3A_419 : i32 to vector<16xi32>
      %shift_right_logical3A_421 = arith.shrui %add3A_418, %shift_right_logical3A_420 : vector<16xi32>
      %mul3A_422 = arith.constant 100000 : i32
      %mul3A_423 = vector.broadcast %mul3A_422 : i32 to vector<16xi32>
      %mul3A_424 = arith.muli %shift_right_logical3A_421, %mul3A_423 : vector<16xi32>
      %sub3A_425 = arith.subi %xor3A_388, %mul3A_424 : vector<16xi32>
      %mul3A_426 = arith.constant 16 : i32
      %mul3A_427 = arith.muli %add3A_365, %mul3A_426 : i32
      %swap3A_428 = arith.index_cast %mul3A_427 : i32 to index
      %swap3A_429 = tpu.vector_load %arg5[%swap3A_428] {strides = array<i32>} : memref<51200xi32, #tpu.memory_space<vmem>>, vector<16xi32>,
      %swap3A_430 = vector.shape_cast %swap3A_429 : vector<16xi32> to vector<16xi32>
      %swap3A_431 = vector.shape_cast %sub3A_425 : vector<16xi32> to vector<16xi32>
      tpu.vector_store %arg5[%swap3A_428], %swap3A_431 {strides = array<i32>} : memref<51200xi32, #tpu.memory_space<vmem>>, vector<16xi32>,
      %scan3A_432 = arith.constant 6 : i32
      %scan3A_433 = arith.addi %scan3A_7, %scan3A_432 : i32
      %mul3A_434 = arith.constant 1 : i32
      %mul3A_435 = arith.muli %scan3A_433, %mul3A_434 : i32
      %add3A_436 = arith.constant 0 : i32
      %add3A_437 = arith.addi %add3A_436, %mul3A_435 : i32
      %mul3A_438 = arith.constant 16 : i32
      %mul3A_439 = arith.muli %add3A_437, %mul3A_438 : i32
      %get3A_440 = arith.index_cast %mul3A_439 : i32 to index
      %get3A_441 = tpu.vector_load %arg4[%get3A_440] {strides = array<i32>} : memref<51200xi32, #tpu.memory_space<vmem>>, vector<16xi32>,
      %get3A_442 = vector.shape_cast %get3A_441 : vector<16xi32> to vector<16xi32>
      %shift_right_logical3A_443 = arith.constant 16 : i32
      %shift_right_logical3A_444 = vector.broadcast %shift_right_logical3A_443 : i32 to vector<16xi32>
      %shift_right_logical3A_445 = arith.shrui %get3A_442, %shift_right_logical3A_444 : vector<16xi32>
      %xor3A_446 = arith.xori %get3A_442, %shift_right_logical3A_445 : vector<16xi32>
      %mul3A_447 = arith.constant 73244475 : i32
      %mul3A_448 = vector.broadcast %mul3A_447 : i32 to vector<16xi32>
      %mul3A_449 = arith.muli %xor3A_446, %mul3A_448 : vector<16xi32>
      %shift_right_logical3A_450 = arith.constant 16 : i32
      %shift_right_logical3A_451 = vector.broadcast %shift_right_logical3A_450 : i32 to vector<16xi32>
      %shift_right_logical3A_452 = arith.shrui %mul3A_449, %shift_right_logical3A_451 : vector<16xi32>
      %xor3A_453 = arith.xori %mul3A_449, %shift_right_logical3A_452 : vector<16xi32>
      %mul3A_454 = arith.constant 73244475 : i32
      %mul3A_455 = vector.broadcast %mul3A_454 : i32 to vector<16xi32>
      %mul3A_456 = arith.muli %xor3A_453, %mul3A_455 : vector<16xi32>
      %shift_right_logical3A_457 = arith.constant 16 : i32
      %shift_right_logical3A_458 = vector.broadcast %shift_right_logical3A_457 : i32 to vector<16xi32>
      %shift_right_logical3A_459 = arith.shrui %mul3A_456, %shift_right_logical3A_458 : vector<16xi32>
      %xor3A_460 = arith.xori %mul3A_456, %shift_right_logical3A_459 : vector<16xi32>
      %shift_right_logical3A_461 = arith.constant 5 : i32
      %shift_right_logical3A_462 = vector.broadcast %shift_right_logical3A_461 : i32 to vector<16xi32>
      %shift_right_logical3A_463 = arith.shrui %xor3A_460, %shift_right_logical3A_462 : vector<16xi32>
      %shift_right_logical3A_464 = arith.constant 16 : i32
      %shift_right_logical3A_465 = vector.broadcast %shift_right_logical3A_464 : i32 to vector<16xi32>
      %shift_right_logical3A_466 = arith.shrui %shift_right_logical3A_463, %shift_right_logical3A_465 : vector<16xi32>
      %and3A_467 = arith.constant 65535 : i32
      %and3A_468 = vector.broadcast %and3A_467 : i32 to vector<16xi32>
      %and3A_469 = arith.andi %shift_right_logical3A_463, %and3A_468 : vector<16xi32>
      %mul3A_470 = arith.constant 23237 : i32
      %mul3A_471 = vector.broadcast %mul3A_470 : i32 to vector<16xi32>
      %mul3A_472 = arith.muli %shift_right_logical3A_466, %mul3A_471 : vector<16xi32>
      %mul3A_473 = arith.constant 2684 : i32
      %mul3A_474 = vector.broadcast %mul3A_473 : i32 to vector<16xi32>
      %mul3A_475 = arith.muli %and3A_469, %mul3A_474 : vector<16xi32>
      %add3A_476 = arith.addi %mul3A_472, %mul3A_475 : vector<16xi32>
      %mul3A_477 = arith.constant 23237 : i32
      %mul3A_478 = vector.broadcast %mul3A_477 : i32 to vector<16xi32>
      %mul3A_479 = arith.muli %and3A_469, %mul3A_478 : vector<16xi32>
      %shift_right_logical3A_480 = arith.constant 16 : i32
      %shift_right_logical3A_481 = vector.broadcast %shift_right_logical3A_480 : i32 to vector<16xi32>
      %shift_right_logical3A_482 = arith.shrui %mul3A_479, %shift_right_logical3A_481 : vector<16xi32>
      %add3A_483 = arith.addi %add3A_476, %shift_right_logical3A_482 : vector<16xi32>
      %mul3A_484 = arith.constant 2684 : i32
      %mul3A_485 = vector.broadcast %mul3A_484 : i32 to vector<16xi32>
      %mul3A_486 = arith.muli %shift_right_logical3A_466, %mul3A_485 : vector<16xi32>
      %shift_right_logical3A_487 = arith.constant 16 : i32
      %shift_right_logical3A_488 = vector.broadcast %shift_right_logical3A_487 : i32 to vector<16xi32>
      %shift_right_logical3A_489 = arith.shrui %add3A_483, %shift_right_logical3A_488 : vector<16xi32>
      %add3A_490 = arith.addi %mul3A_486, %shift_right_logical3A_489 : vector<16xi32>
      %shift_right_logical3A_491 = arith.constant 7 : i32
      %shift_right_logical3A_492 = vector.broadcast %shift_right_logical3A_491 : i32 to vector<16xi32>
      %shift_right_logical3A_493 = arith.shrui %add3A_490, %shift_right_logical3A_492 : vector<16xi32>
      %mul3A_494 = arith.constant 100000 : i32
      %mul3A_495 = vector.broadcast %mul3A_494 : i32 to vector<16xi32>
      %mul3A_496 = arith.muli %shift_right_logical3A_493, %mul3A_495 : vector<16xi32>
      %sub3A_497 = arith.subi %xor3A_460, %mul3A_496 : vector<16xi32>
      %mul3A_498 = arith.constant 16 : i32
      %mul3A_499 = arith.muli %add3A_437, %mul3A_498 : i32
      %swap3A_500 = arith.index_cast %mul3A_499 : i32 to index
      %swap3A_501 = tpu.vector_load %arg5[%swap3A_500] {strides = array<i32>} : memref<51200xi32, #tpu.memory_space<vmem>>, vector<16xi32>,
      %swap3A_502 = vector.shape_cast %swap3A_501 : vector<16xi32> to vector<16xi32>
      %swap3A_503 = vector.shape_cast %sub3A_497 : vector<16xi32> to vector<16xi32>
      tpu.vector_store %arg5[%swap3A_500], %swap3A_503 {strides = array<i32>} : memref<51200xi32, #tpu.memory_space<vmem>>, vector<16xi32>,
      %scan3A_504 = arith.constant 7 : i32
      %scan3A_505 = arith.addi %scan3A_7, %scan3A_504 : i32
      %mul3A_506 = arith.constant 1 : i32
      %mul3A_507 = arith.muli %scan3A_505, %mul3A_506 : i32
      %add3A_508 = arith.constant 0 : i32
      %add3A_509 = arith.addi %add3A_508, %mul3A_507 : i32
      %mul3A_510 = arith.constant 16 : i32
      %mul3A_511 = arith.muli %add3A_509, %mul3A_510 : i32
      %get3A_512 = arith.index_cast %mul3A_511 : i32 to index
      %get3A_513 = tpu.vector_load %arg4[%get3A_512] {strides = array<i32>} : memref<51200xi32, #tpu.memory_space<vmem>>, vector<16xi32>,
      %get3A_514 = vector.shape_cast %get3A_513 : vector<16xi32> to vector<16xi32>
      %shift_right_logical3A_515 = arith.constant 16 : i32
      %shift_right_logical3A_516 = vector.broadcast %shift_right_logical3A_515 : i32 to vector<16xi32>
      %shift_right_logical3A_517 = arith.shrui %get3A_514, %shift_right_logical3A_516 : vector<16xi32>
      %xor3A_518 = arith.xori %get3A_514, %shift_right_logical3A_517 : vector<16xi32>
      %mul3A_519 = arith.constant 73244475 : i32
      %mul3A_520 = vector.broadcast %mul3A_519 : i32 to vector<16xi32>
      %mul3A_521 = arith.muli %xor3A_518, %mul3A_520 : vector<16xi32>
      %shift_right_logical3A_522 = arith.constant 16 : i32
      %shift_right_logical3A_523 = vector.broadcast %shift_right_logical3A_522 : i32 to vector<16xi32>
      %shift_right_logical3A_524 = arith.shrui %mul3A_521, %shift_right_logical3A_523 : vector<16xi32>
      %xor3A_525 = arith.xori %mul3A_521, %shift_right_logical3A_524 : vector<16xi32>
      %mul3A_526 = arith.constant 73244475 : i32
      %mul3A_527 = vector.broadcast %mul3A_526 : i32 to vector<16xi32>
      %mul3A_528 = arith.muli %xor3A_525, %mul3A_527 : vector<16xi32>
      %shift_right_logical3A_529 = arith.constant 16 : i32
      %shift_right_logical3A_530 = vector.broadcast %shift_right_logical3A_529 : i32 to vector<16xi32>
      %shift_right_logical3A_531 = arith.shrui %mul3A_528, %shift_right_logical3A_530 : vector<16xi32>
      %xor3A_532 = arith.xori %mul3A_528, %shift_right_logical3A_531 : vector<16xi32>
      %shift_right_logical3A_533 = arith.constant 5 : i32
      %shift_right_logical3A_534 = vector.broadcast %shift_right_logical3A_533 : i32 to vector<16xi32>
      %shift_right_logical3A_535 = arith.shrui %xor3A_532, %shift_right_logical3A_534 : vector<16xi32>
      %shift_right_logical3A_536 = arith.constant 16 : i32
      %shift_right_logical3A_537 = vector.broadcast %shift_right_logical3A_536 : i32 to vector<16xi32>
      %shift_right_logical3A_538 = arith.shrui %shift_right_logical3A_535, %shift_right_logical3A_537 : vector<16xi32>
      %and3A_539 = arith.constant 65535 : i32
      %and3A_540 = vector.broadcast %and3A_539 : i32 to vector<16xi32>
      %and3A_541 = arith.andi %shift_right_logical3A_535, %and3A_540 : vector<16xi32>
      %mul3A_542 = arith.constant 23237 : i32
      %mul3A_543 = vector.broadcast %mul3A_542 : i32 to vector<16xi32>
      %mul3A_544 = arith.muli %shift_right_logical3A_538, %mul3A_543 : vector<16xi32>
      %mul3A_545 = arith.constant 2684 : i32
      %mul3A_546 = vector.broadcast %mul3A_545 : i32 to vector<16xi32>
      %mul3A_547 = arith.muli %and3A_541, %mul3A_546 : vector<16xi32>
      %add3A_548 = arith.addi %mul3A_544, %mul3A_547 : vector<16xi32>
      %mul3A_549 = arith.constant 23237 : i32
      %mul3A_550 = vector.broadcast %mul3A_549 : i32 to vector<16xi32>
      %mul3A_551 = arith.muli %and3A_541, %mul3A_550 : vector<16xi32>
      %shift_right_logical3A_552 = arith.constant 16 : i32
      %shift_right_logical3A_553 = vector.broadcast %shift_right_logical3A_552 : i32 to vector<16xi32>
      %shift_right_logical3A_554 = arith.shrui %mul3A_551, %shift_right_logical3A_553 : vector<16xi32>
      %add3A_555 = arith.addi %add3A_548, %shift_right_logical3A_554 : vector<16xi32>
      %mul3A_556 = arith.constant 2684 : i32
      %mul3A_557 = vector.broadcast %mul3A_556 : i32 to vector<16xi32>
      %mul3A_558 = arith.muli %shift_right_logical3A_538, %mul3A_557 : vector<16xi32>
      %shift_right_logical3A_559 = arith.constant 16 : i32
      %shift_right_logical3A_560 = vector.broadcast %shift_right_logical3A_559 : i32 to vector<16xi32>
      %shift_right_logical3A_561 = arith.shrui %add3A_555, %shift_right_logical3A_560 : vector<16xi32>
      %add3A_562 = arith.addi %mul3A_558, %shift_right_logical3A_561 : vector<16xi32>
      %shift_right_logical3A_563 = arith.constant 7 : i32
      %shift_right_logical3A_564 = vector.broadcast %shift_right_logical3A_563 : i32 to vector<16xi32>
      %shift_right_logical3A_565 = arith.shrui %add3A_562, %shift_right_logical3A_564 : vector<16xi32>
      %mul3A_566 = arith.constant 100000 : i32
      %mul3A_567 = vector.broadcast %mul3A_566 : i32 to vector<16xi32>
      %mul3A_568 = arith.muli %shift_right_logical3A_565, %mul3A_567 : vector<16xi32>
      %sub3A_569 = arith.subi %xor3A_532, %mul3A_568 : vector<16xi32>
      %mul3A_570 = arith.constant 16 : i32
      %mul3A_571 = arith.muli %add3A_509, %mul3A_570 : i32
      %swap3A_572 = arith.index_cast %mul3A_571 : i32 to index
      %swap3A_573 = tpu.vector_load %arg5[%swap3A_572] {strides = array<i32>} : memref<51200xi32, #tpu.memory_space<vmem>>, vector<16xi32>,
      %swap3A_574 = vector.shape_cast %swap3A_573 : vector<16xi32> to vector<16xi32>
      %swap3A_575 = vector.shape_cast %sub3A_569 : vector<16xi32> to vector<16xi32>
      tpu.vector_store %arg5[%swap3A_572], %swap3A_575 {strides = array<i32>} : memref<51200xi32, #tpu.memory_space<vmem>>, vector<16xi32>,
    }
    %scan3A_6 = arith.constant 3200 : i32
    "tpu.region"() ({
      %run_scoped3A = tpu.sem_alloc : memref<!tpu.dma_semaphore, #tpu.memory_space<semaphore_mem>>
      %dma_start3A = tpu.memref_slice %arg3[%mul3A_2] : memref<1638400xi32, #tpu.memory_space<hbm>> -> memref<51200xi32, #tpu.memory_space<hbm>>
      %dma_start3A_7 = tpu.memref_slice %arg3[%mul3A_2] : memref<1638400xi32, #tpu.memory_space<hbm>> -> memref<51200xi32, #tpu.memory_space<hbm>>
      tpu.enqueue_dma source(%arg5 : memref<51200xi32, #tpu.memory_space<vmem>>) target(%dma_start3A_7 : memref<51200xi32, #tpu.memory_space<hbm>>) target_semaphore(%run_scoped3A : memref<!tpu.dma_semaphore, #tpu.memory_space<semaphore_mem>>)
      %dma_wait3A = tpu.memref_slice %arg3[%mul3A_2] : memref<1638400xi32, #tpu.memory_space<hbm>> -> memref<51200xi32, #tpu.memory_space<hbm>>
      %dma_wait3A_8 = tpu.memref_slice %arg3[%mul3A_2] : memref<1638400xi32, #tpu.memory_space<hbm>> -> memref<51200xi32, #tpu.memory_space<hbm>>
      tpu.wait_dma2 semaphore(%run_scoped3A : memref<!tpu.dma_semaphore, #tpu.memory_space<semaphore_mem>>) src(%arg5 : memref<51200xi32, #tpu.memory_space<vmem>>) dst(%dma_wait3A_8 : memref<51200xi32, #tpu.memory_space<hbm>>)
      tpu.yield
    }) : () -> ()
    return
  }
}

</mosaic_0001>

<sc_bundles>
// kernel: kernel.3.cloned.1.call-start
scs
__scs_entry_jumppad:
0x0: {  	(pc) =	sbr.rel $0x88, $3  }
0x1: {  	(tag) =	ssettag $0x0;
	lr =	simm.s32 $0x1  }
0x2: {  	[smem:$0x3FA0] =	sst lr;
	_ =	strace $0xD0000000  }
0x3: {  	_ = 	snop  }
0x4: {  	_ = 	snop  }
0x5: {  	_ = 	snop  }
0x6: {  	_ = 	snop  }
0x7: {  	_ = 	snop  }
__scs_overlays_trampoline_lowered:
0x8: {  	[smem:$0x3FAF] =	sst s0  }
0x9: {  	[smem:$0x3FB0] =	sst s1  }
0xa: {  	[smem:$0x3FB1] =	sst s2  }
0xb: {  	[smem:$0x3FB2] =	sst s3  }
0xc: {  	[smem:$0x3FB3] =	sst s4  }
0xd: {  	[smem:$0x3FB4] =	sst s5  }
0xe: {  	[smem:$0x3FB5] =	sst s6  }
0xf: {  	[smem:$0x3FB6] =	sst s7  }
0x10: {  	[smem:$0x3FB7] =	sst s8  }
0x11: {  	[smem:$0x3FB8] =	sst s9;
	s0 =	simm.s32 @!p0 $0x0  }
0x12: {  	s1 =	sld [smem:$0x3F9E];
	s0 =	simm.s32 @p0 $0x1  }
0x13: {  	[smem:$0x3FB9] =	sst s0;
	s0 =	simm.s32 @!p1 $0x0  }
0x14: {  	s2 =	sld [smem:$0x3F9D];
	s0 =	simm.s32 @p1 $0x1  }
0x15: {  	[smem:$0x3FBA] =	sst s0;
	s0 =	simm.s32 @!p2 $0x0  }
0x16: {  	s3 =	sld [smem:$0x3FDB];
	s0 =	simm.s32 @p2 $0x1  }
0x17: {  	s4 =	simm.s32 $0x1BF5;
	[smem:$0x3FBC] =	sst s0  }
0x18: {  	s0 =	sld [smem:$0x3F9F];
	_ =	swait.ge [sflag:s4], $0x0  }
0x19: {  	s7 =	sld [smem:$0x3FA0]  }
0x1a: {  	s8 =	sadd.s32 $0xFFFFE003, lr  }
0x1b: {  	s9 =	sadd.s32 $0xFFFFFEF7, lr;
	s5 =	simm.s32 $0xFFFFFFFF;
	p2 =	slt.u32 s8, $0xFFFFF086  }
0x1c: {  	p1 =	slt.u32 s9, $0xF7A;
	s5 =	simm.s32 @!p2 $0x0  }
0x1d: {  	s5 =	simm.s32 @p1 $0x1;
	p0 =	seq.s32 s7, s2  }
0x1e: {  	s7 =	smul.u32 @!p0 $0xF7A, s2;
	p2 =	seq.s32 @!p0 s5, $0x0  }
0x1f: {  	s9 =	smul.u32 $0xF7A, s1;
	s8 =	simm.s32 @!p0 $0x1BF5;
	p2 =	por !p2, p0  }
0x20: {  	[sflag:s8] =	ssyncset.s32 @!p0 $0xFFFFF086;
	s6 =	sadd.s32 @!p0 s3, s7;
	s7 =	simm.s32 @!p0 $0x108  }
0x21: {  	s3 =	sadd.s32 s3, s9;
	s6 =	sadd.s32 @!p0 $0x88, s6;
	s7 =	simm.s32 @p2 $0x1082  }
0x22: {  	[simem:s7], [sflag:s8] =	dma.local @!p0 [hbm:s6], $0xF7A  }
0x23: {  	s9 =	sor.u32 $0xD0000000, s2;
	s6 =	simm.s32 $0x108;
	_ =	swait.ge @!p0 [sflag:s8], $0x0  }
0x24: {  	s3 =	sadd.s32 $0x88, s3;
	s6 =	simm.s32 @!p1 $0x1082;
	[sflag:s4] =	ssyncset.s32 $0xFFFFF086  }
0x25: {  	[simem:s6], [sflag:s4] =	dma.local [hbm:s3], $0xF7A  }
0x26: {  	[smem:$0x3FA0] =	sst s1;
	(tag) =	ssettag s2;
	_ =	strace s9  }
0x27: {  	s1 =	sld [smem:$0x3FB0]  }
0x28: {  	s2 =	sld [smem:$0x3FB1]  }
0x29: {  	s4 =	sld [smem:$0x3FB3]  }
0x2a: {  	p0 =	seq.s32 s5, $0x0;
	s5 =	sld [smem:$0x3FB4]  }
0x2b: {  	s6 =	sld [smem:$0x3FB5]  }
0x2c: {  	s7 =	sld [smem:$0x3FB6]  }
0x2d: {  	s3 =	simm.s32 $0x108;
	s8 =	sld [smem:$0x3FB7]  }
0x2e: {  	s3 =	simm.s32 @!p0 $0x1082;
	s9 =	sld [smem:$0x3FB8]  }
0x2f: {  	lr =	sadd.s32 s0, s3;
	s0 =	sld [smem:$0x3FAF]  }
0x30: {  	s3 =	sld [smem:$0x3FB2]  }
0x31: {  	[smem:$0x3FBB] =	sst s10  }
0x32: {  	s10 =	sld [smem:$0x3FB9];
	_ =	sdelay $0x3  }
0x33: {  	p0 =	seq.s32 s10, $0x1;
	s10 =	sld [smem:$0x3FBB];
	_ =	sdelay $0x3  }
0x34: {  	[smem:$0x3FBB] =	sst s10  }
0x35: {  	s10 =	sld [smem:$0x3FBA];
	_ =	sdelay $0x3  }
0x36: {  	p1 =	seq.s32 s10, $0x1;
	s10 =	sld [smem:$0x3FBB];
	_ =	sdelay $0x3  }
0x37: {  	[smem:$0x3FBB] =	sst s10  }
0x38: {  	s10 =	sld [smem:$0x3FBC]  }
0x39: {  	_ = 	snop;
	(pc) =	sbr.ind lr, $3  }
0x3a: {  	_ = 	snop  }
0x3b: {  	_ = 	snop  }
0x3c: {  	p2 =	seq.s32 s10, $0x1;
	s10 =	sld [smem:$0x3FBB]  }
0x3d: {  	_ =	shalt  }
0x3e: {  	_ =	shalt  }
0x3f: {  	_ =	shalt  }
0x40: {  	_ =	shalt  }
0x41: {  	_ =	shalt  }
0x42: {  	_ =	shalt  }
0x43: {  	_ =	shalt  }
0x44: {  	_ =	shalt  }
0x45: {  	_ =	shalt  }
0x46: {  	_ =	shalt  }
0x47: {  	_ =	shalt  }
0x48: {  	_ =	shalt  }
0x49: {  	_ =	shalt  }
0x4a: {  	_ =	shalt  }
0x4b: {  	_ =	shalt  }
0x4c: {  	_ =	shalt  }
0x4d: {  	_ =	shalt  }
0x4e: {  	_ =	shalt  }
0x4f: {  	_ =	shalt  }
0x50: {  	_ =	shalt  }
0x51: {  	_ =	shalt  }
0x52: {  	_ =	shalt  }
0x53: {  	_ =	shalt  }
0x54: {  	_ =	shalt  }
0x55: {  	_ =	shalt  }
0x56: {  	_ =	shalt  }
0x57: {  	_ =	shalt  }
0x58: {  	_ =	shalt  }
0x59: {  	_ =	shalt  }
0x5a: {  	_ =	shalt  }
0x5b: {  	_ =	shalt  }
0x5c: {  	_ =	shalt  }
0x5d: {  	_ =	shalt  }
0x5e: {  	_ =	shalt  }
0x5f: {  	_ =	shalt  }
0x60: {  	_ =	shalt  }
0x61: {  	_ =	shalt  }
0x62: {  	_ =	shalt  }
0x63: {  	_ =	shalt  }
0x64: {  	_ =	shalt  }
0x65: {  	_ =	shalt  }
0x66: {  	_ =	shalt  }
0x67: {  	_ =	shalt  }
0x68: {  	_ =	shalt  }
0x69: {  	_ =	shalt  }
0x6a: {  	_ =	shalt  }
0x6b: {  	_ =	shalt  }
0x6c: {  	_ =	shalt  }
0x6d: {  	_ =	shalt  }
0x6e: {  	_ =	shalt  }
0x6f: {  	_ =	shalt  }
0x70: {  	_ =	shalt  }
0x71: {  	_ =	shalt  }
0x72: {  	_ =	shalt  }
0x73: {  	_ =	shalt  }
0x74: {  	_ =	shalt  }
0x75: {  	_ =	shalt  }
0x76: {  	_ =	shalt  }
0x77: {  	_ =	shalt  }
0x78: {  	_ =	shalt  }
0x79: {  	_ =	shalt  }
0x7a: {  	_ =	shalt  }
0x7b: {  	_ =	shalt  }
0x7c: {  	_ =	shalt  }
0x7d: {  	_ =	shalt  }
0x7e: {  	_ =	shalt  }
0x7f: {  	_ =	shalt  }
0x80: {  	_ =	shalt  }
0x81: {  	_ =	shalt  }
0x82: {  	_ =	shalt  }
0x83: {  	_ =	shalt  }
0x84: {  	_ =	shalt  }
0x85: {  	_ =	shalt  }
0x86: {  	_ =	shalt  }
0x87: {  	_ =	shalt  }
.Lfunc_end0:
.L_simem_size_0:
called_computation_lowered:
.L_overlay_start_0:
0x88: {  	s2 =	sld [smem:$0x3FD9]  }
0x89: {  	s3 =	sld [smem:$0x3FFE];
	_ =	sdelay $0x1  }
0x8a: {  	s1 =	srdreg.scid  }
0x8b: {  	s0 =	sand.u32 $0x1, s1  }
0x8c: {  	s17 =	sshll.u32 s0, $0xA;
	s2 =	sadd.s32 s3, s2  }
0x8d: {  	s2 =	sadd.s32 s2, s17  }
0x8e: {  	[smem:$0x3FC7] =	sst s2  }
0x8f: {  	_ = 	snop  }
0x90: {  	s2 =	sld [smem:$0x3FD0];
	(tm) =	ssettm $0x1  }
0x91: {  	s18 =	sld [smem:$0x3FFB];
	_ =	sdelay $0x3  }
0x92: {  	_ =	strace s18  }
0x93: {  	s3 =	sld [smem:$0x3FFC];
	_ =	sdelay $0x3  }
0x94: {  	_ =	strace s3  }
0x95: {  	s3 =	sld [smem:$0x3FFD];
	_ =	sdelay $0x3  }
0x96: {  	_ =	strace s3  }
0x97: {  	_ =	strace $0x8FFFFFFF  }
0x98: {  	s19 =	sld [smem:$0x3FDB];
	_ =	sdelay $0x1  }
0x99: {  	s4 =	simm.s32 $_scs_section_size  }
0x9a: {  	s5 =	simm.s32 $_size__tile_overlayer_lowered;
	s6 =	simm.s32 $_tile_overlayer_lowered  }
0x9b: {  	s22 =	simm.s32 $0x1BFF;
	s21 =	sshll.u32 s6, $0x1;
	s3 =	sadd.s32 s4, s19  }
0x9c: {  	s7 =	simm.s32 $0x0;
	s20 =	sshll.u32 s5, $0x1;
	s5 =	sadd.s32 s21, s3  }
0x9d: {  	[timem:s7], [sflag:s22] =	dma.local [hbm:s5], s20  }
0x9e: {  	_ =	swait.ge [sflag:s22], s20  }
0x9f: {  	s4 =	ssub.s32 $0x0, s20;
	[sflag:s22] =	ssyncset.done $0x0  }
0xa0: {  	[sflag:s22] =	ssyncadd.s32 s4;
	_ =	sdelay $0x1  }
0xa1: {  	s23 =	simm.s32 $0x1B8B  }
0xa2: {  	_ =	swait.ge [sflag:s23], $0x1  }
0xa3: {  	[sflag:s23] =	ssyncset.done $0x0  }
0xa4: {  	s25 =	simm.s32 $0x1B8E;
	s24 =	sld [smem:$0x3FFE];
	[sflag:s23] =	ssyncadd.s32 $0xFFFFFFFF  }
0xa5: {  	s26 =	simm.s32 $execute0_lowered;
	[smem:$0x3FD2] =	sst s25  }
0xa6: {  	s5 =	sshll.u32 s26, $0x1;
	_ =	strace $0x80000046;
	[dreg:$0x1] =	wrdreg $0xFFFFFFFF  }
0xa7: {  	s28 =	simm.s32 $_size_execute0_lowered;
	s3 =	sadd.s32 s3, s5;
	[dreg:$0x0] =	wrdreg $0x0  }
0xa8: {  	s5 =	sshll.u32 s28, $0x1;
	[dreg:$0x2] =	wrdreg s3  }
0xa9: {  	[dreg:$0x3] =	wrdreg s5  }
0xaa: {  	[dreg:$0x4] =	wrdreg $0xC0  }
0xab: {  	_ =	task [dreg:s7], $0x5FFFF  }
0xac: {  	[dreg:$0x1] =	wrdreg $0xFFFFFFFF  }
0xad: {  	[dreg:$0x0] =	wrdreg $0x60  }
0xae: {  	[dreg:$0x2] =	wrdreg s2  }
0xaf: {  	[dreg:$0x3] =	wrdreg s24  }
0xb0: {  	[dreg:$0x4] =	wrdreg $0x9  }
0xb1: {  	_ =	task.clear_ibuf [dreg:s7], $0x5FFFF;
	_ =	strace $0x90000046  }
0xb2: {  	s29 =	simm.s32 $0x9;
	_ =	strace $0x80000048  }
0xb3: {  	_ =	swait.ge [sflag:s29], $0x1  }
0xb4: {  	[sflag:s29] =	ssyncadd.s32 $0xFFFFFFFF  }
0xb5: {  	_ =	strace $0x90000048  }
0xb6: {  	_ =	sfence  }
0xb7: {  	s30 =	sld [smem:$0x0];
	_ =	sdelay $0x2  }
0xb8: {  	s31 =	sshll.u32 s1, $0xD;
	s1 =	sshrl.u32 s1, $0x2  }
0xb9: {  	s3 =	sand.u32 $0x4000, s31;
	s1 =	sadd.s32 s1, s30  }
0xba: {  	s0 =	sor.u32 s3, s0;
	s1 =	sshll.u32 s1, $0x11  }
0xbb: {  	s0 =	sor.u32 s1, s0  }
0xbc: {  	s0 =	sadd.s32 $0x8F2B, s0  }
0xbd: {  	[sflag:s0] =	ssyncadd.remote.s32 $0x1  }
0xbe: {  	_ =	sfence.sel $0xFFFF  }
0xbf: {  	[dreg:$0x0] =	wrdreg $0xFFFFFFFF;
	(pc) =	sbr.abs _section_cstart, $3  }
0xc0: {  	[dreg:$0x1] =	wrdreg $0xFFFFFFFF  }
0xc1: {  	_ =	task.clear_ibuf [dreg:s7], $0x2FFFF;
	_ =	strace $0x9FFFFFFF  }
0xc2: {  	(tm) =	ssettm $0x7FFFFFFF  }
0xc3: {  	_ =	shalt  }
tec
execute0_lowered:
.L_overlay_start_1:
0x0: {  	(tag) =	ssettag $0x1  }
0x1: {  	s3 =	rddreg [dreg:$0x0];
	s1 =	srdreg.scid  }
0x2: {  	s0 =	stileid.u32;
	s4 =	rddreg [dreg:$0x1]  }
0x3: {  	s8 =	simm.s32 $0x0;
	s5 =	sand.u32 $0x1, s1;
	s2 =	sshll.u32 s0, $0x1  }
0x4: {  	s6 =	sor.u32 s5, s2;
	s2 =	simm.s32 $0x0;
	s5 =	ssub.s32 $0x2, s5  }
0x5: {  	s6 =	smul.u32 $0x1900, s6;
	[smem:$0x7FF] =	sst s2;
	s7 =	sshrl.u32 s5, $0x1  }
0x6: {  	s1 =	rddreg [dreg:$0x2];
	_ =	strace $0x80000047;
	s5 =	ssub.s32 s5, s7  }
0x7: {  	s7 =	simm.s32 $0xC800;
	s4 =	sadd.s32 s6, s4;
	s3 =	sadd.s32 s3, s6  }
0x8: {  	s5 =	smax.u32 s5, $0x1;
	s6 =	simm.s32 $0x1;
	s4 =	sadd.s32 $0x400, s4  }
.LBB2_1:
0x9: {  	[tilespmem:s2], [sflag:$0x1] =	stream.linear.gather [hbm4b:s3+s2], $0xC800, $0x38;
	[tilespmem:$0x19000] =	vst v63  }
0xa: {  	_ =	swait.ge [sflag:s6], $0xC800  }
0xb: {  	[sflag:s6] =	ssyncset.done $0x0  }
0xc: {  	s9 =	simm.s32 $0x40;
	[sflag:s6] =	ssyncadd.s32 $0xFFFF3800  }
0xd: {  	v0 =	vld [tilespmem:s9+$0xFFFFFFC0];
	_ =	sdelay $0x4  }
0xe: {  	v1 =	vshrl.u32 v0, $0x10  }
0xf: {  	v0 =	vxor.u32 v0, v1  }
0x10: {  	v0 =	vmul.u32 $0x45D9F3B, v0;
	_ =	sdelay $0x1  }
0x11: {  	v1 =	vshrl.u32 v0, $0x10  }
0x12: {  	v0 =	vxor.u32 v0, v1  }
0x13: {  	v0 =	vmul.u32 $0x45D9F3B, v0;
	_ =	sdelay $0x1  }
0x14: {  	v1 =	vshrl.u32 v0, $0x10  }
0x15: {  	v1 =	vxor.u32 v0, v1  }
0x16: {  	v2 =	vshrl.u32 v1, $0x5  }
0x17: {  	v0 =	vshrl.u32 v0, $0x15;
	v2 =	vand.u32 $0xFFFF, v2  }
0x18: {  	v3 =	vmul.u32 $0x5AC5, v0;
	v4 =	vmul.u32 $0xA7C, v2;
	v2 =	vmul.u32 $0x5AC5, v2;
	_ =	sdelay $0x1  }
0x19: {  	v3 =	vadd.s32 v3, v4;
	v2 =	vshrl.u32 v2, $0x10  }
0x1a: {  	v0 =	vmul.u32 $0xA7C, v0;
	v2 =	vadd.s32 v2, v3  }
0x1b: {  	v2 =	vshrl.u32 v2, $0x10  }
0x1c: {  	v0 =	vadd.s32 v0, v2  }
0x1d: {  	v0 =	vshrl.u32 v0, $0x7  }
0x1e: {  	v0 =	vmul.u32 $0xFFFE7960, v0;
	_ =	sdelay $0x1  }
0x1f: {  	s10 =	simm.s32 $0xC840;
	v0 =	vadd.s32 v1, v0  }
0x20: {  	[tilespmem:s10+$0xFFFFFFC0] =	vst v0  }
0x21: {  	v0 =	vld [tilespmem:s9+$0xFFFFFFD0];
	_ =	sdelay $0x4  }
0x22: {  	v1 =	vshrl.u32 v0, $0x10  }
0x23: {  	v0 =	vxor.u32 v0, v1  }
0x24: {  	v0 =	vmul.u32 $0x45D9F3B, v0;
	_ =	sdelay $0x1  }
0x25: {  	v1 =	vshrl.u32 v0, $0x10  }
0x26: {  	v0 =	vxor.u32 v0, v1  }
0x27: {  	v0 =	vmul.u32 $0x45D9F3B, v0;
	_ =	sdelay $0x1  }
0x28: {  	v1 =	vshrl.u32 v0, $0x10  }
0x29: {  	v1 =	vxor.u32 v0, v1  }
0x2a: {  	v2 =	vshrl.u32 v1, $0x5  }
0x2b: {  	v0 =	vshrl.u32 v0, $0x15;
	v2 =	vand.u32 $0xFFFF, v2  }
0x2c: {  	v3 =	vmul.u32 $0x5AC5, v0;
	v57 =	vmul.u32 $0xA7C, v2;
	v2 =	vmul.u32 $0x5AC5, v2;
	_ =	sdelay $0x1  }
0x2d: {  	v3 =	vadd.s32 v3, v57;
	v2 =	vshrl.u32 v2, $0x10  }
0x2e: {  	v0 =	vmul.u32 $0xA7C, v0;
	v2 =	vadd.s32 v2, v3  }
0x2f: {  	v2 =	vshrl.u32 v2, $0x10  }
0x30: {  	v0 =	vadd.s32 v0, v2  }
0x31: {  	v0 =	vshrl.u32 v0, $0x7  }
0x32: {  	v0 =	vmul.u32 $0xFFFE7960, v0;
	_ =	sdelay $0x1  }
0x33: {  	v0 =	vadd.s32 v1, v0  }
0x34: {  	[tilespmem:s10+$0xFFFFFFD0] =	vst v0  }
0x35: {  	v0 =	vld [tilespmem:s9+$0xFFFFFFE0];
	_ =	sdelay $0x4  }
0x36: {  	v1 =	vshrl.u32 v0, $0x10  }
0x37: {  	v0 =	vxor.u32 v0, v1  }
0x38: {  	v0 =	vmul.u32 $0x45D9F3B, v0;
	_ =	sdelay $0x1  }
0x39: {  	v1 =	vshrl.u32 v0, $0x10  }
0x3a: {  	v0 =	vxor.u32 v0, v1  }
0x3b: {  	v0 =	vmul.u32 $0x45D9F3B, v0;
	_ =	sdelay $0x1  }
0x3c: {  	v1 =	vshrl.u32 v0, $0x10  }
0x3d: {  	v1 =	vxor.u32 v0, v1  }
0x3e: {  	v2 =	vshrl.u32 v1, $0x5  }
0x3f: {  	v0 =	vshrl.u32 v0, $0x15;
	v2 =	vand.u32 $0xFFFF, v2  }
0x40: {  	v3 =	vmul.u32 $0x5AC5, v0;
	v58 =	vmul.u32 $0xA7C, v2;
	v2 =	vmul.u32 $0x5AC5, v2;
	_ =	sdelay $0x1  }
0x41: {  	v3 =	vadd.s32 v3, v58;
	v2 =	vshrl.u32 v2, $0x10  }
0x42: {  	v0 =	vmul.u32 $0xA7C, v0;
	v2 =	vadd.s32 v2, v3  }
0x43: {  	v2 =	vshrl.u32 v2, $0x10  }
0x44: {  	v0 =	vadd.s32 v0, v2  }
0x45: {  	v0 =	vshrl.u32 v0, $0x7  }
0x46: {  	v0 =	vmul.u32 $0xFFFE7960, v0;
	_ =	sdelay $0x1  }
0x47: {  	v0 =	vadd.s32 v1, v0  }
0x48: {  	[tilespmem:s10+$0xFFFFFFE0] =	vst v0  }
0x49: {  	v0 =	vld [tilespmem:s9+$0xFFFFFFF0];
	_ =	sdelay $0x4  }
0x4a: {  	v1 =	vshrl.u32 v0, $0x10  }
0x4b: {  	v0 =	vxor.u32 v0, v1  }
0x4c: {  	v0 =	vmul.u32 $0x45D9F3B, v0;
	_ =	sdelay $0x1  }
0x4d: {  	v1 =	vshrl.u32 v0, $0x10  }
0x4e: {  	v0 =	vxor.u32 v0, v1  }
0x4f: {  	v0 =	vmul.u32 $0x45D9F3B, v0;
	_ =	sdelay $0x1  }
0x50: {  	v1 =	vshrl.u32 v0, $0x10  }
0x51: {  	v1 =	vxor.u32 v0, v1  }
0x52: {  	v2 =	vshrl.u32 v1, $0x5  }
0x53: {  	v0 =	vshrl.u32 v0, $0x15;
	v2 =	vand.u32 $0xFFFF, v2  }
0x54: {  	v3 =	vmul.u32 $0x5AC5, v0;
	v59 =	vmul.u32 $0xA7C, v2;
	v2 =	vmul.u32 $0x5AC5, v2;
	_ =	sdelay $0x1  }
0x55: {  	v3 =	vadd.s32 v3, v59;
	v2 =	vshrl.u32 v2, $0x10  }
0x56: {  	v0 =	vmul.u32 $0xA7C, v0;
	v2 =	vadd.s32 v2, v3  }
0x57: {  	v2 =	vshrl.u32 v2, $0x10  }
0x58: {  	v0 =	vadd.s32 v0, v2  }
0x59: {  	v0 =	vshrl.u32 v0, $0x7  }
0x5a: {  	v0 =	vmul.u32 $0xFFFE7960, v0;
	_ =	sdelay $0x1  }
0x5b: {  	v0 =	vadd.s32 v1, v0  }
0x5c: {  	[tilespmem:s10+$0xFFFFFFF0] =	vst v0  }
0x5d: {  	v0 =	vld [tilespmem:s9+$0x0];
	_ =	sdelay $0x4  }
0x5e: {  	v1 =	vshrl.u32 v0, $0x10  }
0x5f: {  	v0 =	vxor.u32 v0, v1  }
0x60: {  	v0 =	vmul.u32 $0x45D9F3B, v0;
	_ =	sdelay $0x1  }
0x61: {  	v1 =	vshrl.u32 v0, $0x10  }
0x62: {  	v0 =	vxor.u32 v0, v1  }
0x63: {  	v0 =	vmul.u32 $0x45D9F3B, v0;
	_ =	sdelay $0x1  }
0x64: {  	v1 =	vshrl.u32 v0, $0x10  }
0x65: {  	v1 =	vxor.u32 v0, v1  }
0x66: {  	v2 =	vshrl.u32 v1, $0x5  }
0x67: {  	v0 =	vshrl.u32 v0, $0x15;
	v2 =	vand.u32 $0xFFFF, v2  }
0x68: {  	v3 =	vmul.u32 $0x5AC5, v0;
	v60 =	vmul.u32 $0xA7C, v2;
	v2 =	vmul.u32 $0x5AC5, v2;
	_ =	sdelay $0x1  }
0x69: {  	v3 =	vadd.s32 v3, v60;
	v2 =	vshrl.u32 v2, $0x10  }
0x6a: {  	v0 =	vmul.u32 $0xA7C, v0;
	v2 =	vadd.s32 v2, v3  }
0x6b: {  	v2 =	vshrl.u32 v2, $0x10  }
0x6c: {  	v0 =	vadd.s32 v0, v2  }
0x6d: {  	v0 =	vshrl.u32 v0, $0x7  }
0x6e: {  	v0 =	vmul.u32 $0xFFFE7960, v0;
	_ =	sdelay $0x1  }
0x6f: {  	v0 =	vadd.s32 v1, v0  }
0x70: {  	[tilespmem:s10+$0x0] =	vst v0  }
0x71: {  	v0 =	vld [tilespmem:s9+$0x10];
	_ =	sdelay $0x4  }
0x72: {  	v1 =	vshrl.u32 v0, $0x10  }
0x73: {  	v0 =	vxor.u32 v0, v1  }
0x74: {  	v0 =	vmul.u32 $0x45D9F3B, v0;
	_ =	sdelay $0x1  }
0x75: {  	v1 =	vshrl.u32 v0, $0x10  }
0x76: {  	v0 =	vxor.u32 v0, v1  }
0x77: {  	v0 =	vmul.u32 $0x45D9F3B, v0;
	_ =	sdelay $0x1  }
0x78: {  	v1 =	vshrl.u32 v0, $0x10  }
0x79: {  	v1 =	vxor.u32 v0, v1  }
0x7a: {  	v2 =	vshrl.u32 v1, $0x5  }
0x7b: {  	v0 =	vshrl.u32 v0, $0x15;
	v2 =	vand.u32 $0xFFFF, v2  }
0x7c: {  	v3 =	vmul.u32 $0x5AC5, v0;
	v61 =	vmul.u32 $0xA7C, v2;
	v2 =	vmul.u32 $0x5AC5, v2;
	_ =	sdelay $0x1  }
0x7d: {  	v3 =	vadd.s32 v3, v61;
	v2 =	vshrl.u32 v2, $0x10  }
0x7e: {  	v0 =	vmul.u32 $0xA7C, v0;
	v2 =	vadd.s32 v2, v3  }
0x7f: {  	v2 =	vshrl.u32 v2, $0x10  }
0x80: {  	v0 =	vadd.s32 v0, v2  }
0x81: {  	v0 =	vshrl.u32 v0, $0x7  }
0x82: {  	v0 =	vmul.u32 $0xFFFE7960, v0;
	_ =	sdelay $0x1  }
0x83: {  	v0 =	vadd.s32 v1, v0  }
0x84: {  	[tilespmem:s10+$0x10] =	vst v0  }
0x85: {  	v0 =	vld [tilespmem:s9+$0x20];
	_ =	sdelay $0x4  }
0x86: {  	v1 =	vshrl.u32 v0, $0x10  }
0x87: {  	v0 =	vxor.u32 v0, v1  }
0x88: {  	v0 =	vmul.u32 $0x45D9F3B, v0;
	_ =	sdelay $0x1  }
0x89: {  	v1 =	vshrl.u32 v0, $0x10  }
0x8a: {  	v0 =	vxor.u32 v0, v1  }
0x8b: {  	v0 =	vmul.u32 $0x45D9F3B, v0;
	_ =	sdelay $0x1  }
0x8c: {  	v1 =	vshrl.u32 v0, $0x10  }
0x8d: {  	v1 =	vxor.u32 v0, v1  }
0x8e: {  	v2 =	vshrl.u32 v1, $0x5  }
0x8f: {  	v0 =	vshrl.u32 v0, $0x15;
	v2 =	vand.u32 $0xFFFF, v2  }
0x90: {  	v3 =	vmul.u32 $0x5AC5, v0;
	v62 =	vmul.u32 $0xA7C, v2;
	v2 =	vmul.u32 $0x5AC5, v2;
	_ =	sdelay $0x1  }
0x91: {  	v3 =	vadd.s32 v3, v62;
	v2 =	vshrl.u32 v2, $0x10  }
0x92: {  	v0 =	vmul.u32 $0xA7C, v0;
	v2 =	vadd.s32 v2, v3  }
0x93: {  	v2 =	vshrl.u32 v2, $0x10  }
0x94: {  	v0 =	vadd.s32 v0, v2  }
0x95: {  	v0 =	vshrl.u32 v0, $0x7  }
0x96: {  	v0 =	vmul.u32 $0xFFFE7960, v0;
	_ =	sdelay $0x1  }
0x97: {  	v0 =	vadd.s32 v1, v0  }
0x98: {  	[tilespmem:s10+$0x20] =	vst v0  }
0x99: {  	v0 =	vld [tilespmem:s9+$0x30];
	_ =	sdelay $0x4  }
0x9a: {  	v1 =	vshrl.u32 v0, $0x10  }
0x9b: {  	v0 =	vxor.u32 v0, v1  }
0x9c: {  	v0 =	vmul.u32 $0x45D9F3B, v0;
	_ =	sdelay $0x1  }
0x9d: {  	v1 =	vshrl.u32 v0, $0x10  }
0x9e: {  	v0 =	vxor.u32 v0, v1  }
0x9f: {  	v0 =	vmul.u32 $0x45D9F3B, v0;
	_ =	sdelay $0x1  }
0xa0: {  	v1 =	vshrl.u32 v0, $0x10  }
0xa1: {  	v1 =	vxor.u32 v0, v1  }
0xa2: {  	v2 =	vshrl.u32 v1, $0x5  }
0xa3: {  	v0 =	vshrl.u32 v0, $0x15;
	v2 =	vand.u32 $0xFFFF, v2  }
0xa4: {  	v3 =	vmul.u32 $0x5AC5, v0;
	v63 =	vmul.u32 $0xA7C, v2;
	v2 =	vmul.u32 $0x5AC5, v2;
	_ =	sdelay $0x1  }
0xa5: {  	v3 =	vadd.s32 v3, v63;
	v2 =	vshrl.u32 v2, $0x10  }
0xa6: {  	v0 =	vmul.u32 $0xA7C, v0;
	v2 =	vadd.s32 v2, v3  }
0xa7: {  	v2 =	vshrl.u32 v2, $0x10  }
0xa8: {  	v0 =	vadd.s32 v0, v2  }
0xa9: {  	v0 =	vshrl.u32 v0, $0x7  }
0xaa: {  	v0 =	vmul.u32 $0xFFFE7960, v0;
	_ =	sdelay $0x1  }
0xab: {  	s11 =	simm.s32 $0x0;
	v0 =	vadd.s32 v1, v0  }
.LBB2_2:
0xac: {  	s11 =	sadd.s32 $0x8, s11;
	[tilespmem:s10+$0x30] =	vst v0;
	s9 =	sadd.s32 $0x80, s9;
	s10 =	sadd.s32 $0x80, s10  }
0xad: {  	v0 =	vld [tilespmem:s9+$0xFFFFFFC0];
	p0 =	slt.u32 s11, $0xC78;
	_ =	sdelay $0x4  }
0xae: {  	v1 =	vshrl.u32 v0, $0x10  }
0xaf: {  	v0 =	vxor.u32 v0, v1  }
0xb0: {  	v0 =	vmul.u32 $0x45D9F3B, v0;
	_ =	sdelay $0x1  }
0xb1: {  	v1 =	vshrl.u32 v0, $0x10  }
0xb2: {  	v0 =	vxor.u32 v0, v1  }
0xb3: {  	v0 =	vmul.u32 $0x45D9F3B, v0;
	_ =	sdelay $0x1  }
0xb4: {  	v1 =	vshrl.u32 v0, $0x10;
	v2 =	vshrl.u32 v0, $0x15  }
0xb5: {  	v0 =	vxor.u32 v0, v1  }
0xb6: {  	v1 =	vshrl.u32 v0, $0x5  }
0xb7: {  	v1 =	vand.u32 $0xFFFF, v1  }
0xb8: {  	v3 =	vmul.u32 $0x5AC5, v2;
	v4 =	vmul.u32 $0xA7C, v1;
	v1 =	vmul.u32 $0x5AC5, v1;
	_ =	sdelay $0x1  }
0xb9: {  	v3 =	vadd.s32 v3, v4;
	v1 =	vshrl.u32 v1, $0x10  }
0xba: {  	v2 =	vmul.u32 $0xA7C, v2;
	v1 =	vadd.s32 v1, v3  }
0xbb: {  	v1 =	vshrl.u32 v1, $0x10  }
0xbc: {  	v1 =	vadd.s32 v2, v1  }
0xbd: {  	v1 =	vshrl.u32 v1, $0x7  }
0xbe: {  	v1 =	vmul.u32 $0xFFFE7960, v1;
	_ =	sdelay $0x1  }
0xbf: {  	v0 =	vadd.s32 v0, v1  }
0xc0: {  	[tilespmem:s10+$0xFFFFFFC0] =	vst v0  }
0xc1: {  	v0 =	vld [tilespmem:s9+$0xFFFFFFD0];
	_ =	sdelay $0x4  }
0xc2: {  	v1 =	vshrl.u32 v0, $0x10  }
0xc3: {  	v0 =	vxor.u32 v0, v1  }
0xc4: {  	v0 =	vmul.u32 $0x45D9F3B, v0;
	_ =	sdelay $0x1  }
0xc5: {  	v1 =	vshrl.u32 v0, $0x10  }
0xc6: {  	v0 =	vxor.u32 v0, v1  }
0xc7: {  	v0 =	vmul.u32 $0x45D9F3B, v0;
	_ =	sdelay $0x1  }
0xc8: {  	v1 =	vshrl.u32 v0, $0x10;
	v2 =	vshrl.u32 v0, $0x15  }
0xc9: {  	v0 =	vxor.u32 v0, v1  }
0xca: {  	v1 =	vshrl.u32 v0, $0x5  }
0xcb: {  	v1 =	vand.u32 $0xFFFF, v1  }
0xcc: {  	v3 =	vmul.u32 $0x5AC5, v2;
	v4 =	vmul.u32 $0xA7C, v1;
	v1 =	vmul.u32 $0x5AC5, v1;
	_ =	sdelay $0x1  }
0xcd: {  	v3 =	vadd.s32 v3, v4;
	v1 =	vshrl.u32 v1, $0x10  }
0xce: {  	v2 =	vmul.u32 $0xA7C, v2;
	v1 =	vadd.s32 v1, v3  }
0xcf: {  	v1 =	vshrl.u32 v1, $0x10  }
0xd0: {  	v1 =	vadd.s32 v2, v1  }
0xd1: {  	v1 =	vshrl.u32 v1, $0x7  }
0xd2: {  	v1 =	vmul.u32 $0xFFFE7960, v1;
	_ =	sdelay $0x1  }
0xd3: {  	v0 =	vadd.s32 v0, v1  }
0xd4: {  	[tilespmem:s10+$0xFFFFFFD0] =	vst v0  }
0xd5: {  	v0 =	vld [tilespmem:s9+$0xFFFFFFE0];
	_ =	sdelay $0x4  }
0xd6: {  	v1 =	vshrl.u32 v0, $0x10  }
0xd7: {  	v0 =	vxor.u32 v0, v1  }
0xd8: {  	v0 =	vmul.u32 $0x45D9F3B, v0;
	_ =	sdelay $0x1  }
0xd9: {  	v1 =	vshrl.u32 v0, $0x10  }
0xda: {  	v0 =	vxor.u32 v0, v1  }
0xdb: {  	v0 =	vmul.u32 $0x45D9F3B, v0;
	_ =	sdelay $0x1  }
0xdc: {  	v1 =	vshrl.u32 v0, $0x10;
	v2 =	vshrl.u32 v0, $0x15  }
0xdd: {  	v0 =	vxor.u32 v0, v1  }
0xde: {  	v1 =	vshrl.u32 v0, $0x5  }
0xdf: {  	v1 =	vand.u32 $0xFFFF, v1  }
0xe0: {  	v3 =	vmul.u32 $0x5AC5, v2;
	v4 =	vmul.u32 $0xA7C, v1;
	v1 =	vmul.u32 $0x5AC5, v1;
	_ =	sdelay $0x1  }
0xe1: {  	v3 =	vadd.s32 v3, v4;
	v1 =	vshrl.u32 v1, $0x10  }
0xe2: {  	v2 =	vmul.u32 $0xA7C, v2;
	v1 =	vadd.s32 v1, v3  }
0xe3: {  	v1 =	vshrl.u32 v1, $0x10  }
0xe4: {  	v1 =	vadd.s32 v2, v1  }
0xe5: {  	v1 =	vshrl.u32 v1, $0x7  }
0xe6: {  	v1 =	vmul.u32 $0xFFFE7960, v1;
	_ =	sdelay $0x1  }
0xe7: {  	v0 =	vadd.s32 v0, v1  }
0xe8: {  	[tilespmem:s10+$0xFFFFFFE0] =	vst v0  }
0xe9: {  	v0 =	vld [tilespmem:s9+$0xFFFFFFF0];
	_ =	sdelay $0x4  }
0xea: {  	v1 =	vshrl.u32 v0, $0x10  }
0xeb: {  	v0 =	vxor.u32 v0, v1  }
0xec: {  	v0 =	vmul.u32 $0x45D9F3B, v0;
	_ =	sdelay $0x1  }
0xed: {  	v1 =	vshrl.u32 v0, $0x10  }
0xee: {  	v0 =	vxor.u32 v0, v1  }
0xef: {  	v0 =	vmul.u32 $0x45D9F3B, v0;
	_ =	sdelay $0x1  }
0xf0: {  	v1 =	vshrl.u32 v0, $0x10;
	v2 =	vshrl.u32 v0, $0x15  }
0xf1: {  	v0 =	vxor.u32 v0, v1  }
0xf2: {  	v1 =	vshrl.u32 v0, $0x5  }
0xf3: {  	v1 =	vand.u32 $0xFFFF, v1  }
0xf4: {  	v3 =	vmul.u32 $0x5AC5, v2;
	v4 =	vmul.u32 $0xA7C, v1;
	v1 =	vmul.u32 $0x5AC5, v1;
	_ =	sdelay $0x1  }
0xf5: {  	v3 =	vadd.s32 v3, v4;
	v1 =	vshrl.u32 v1, $0x10  }
0xf6: {  	v2 =	vmul.u32 $0xA7C, v2;
	v1 =	vadd.s32 v1, v3  }
0xf7: {  	v1 =	vshrl.u32 v1, $0x10  }
0xf8: {  	v1 =	vadd.s32 v2, v1  }
0xf9: {  	v1 =	vshrl.u32 v1, $0x7  }
0xfa: {  	v1 =	vmul.u32 $0xFFFE7960, v1;
	_ =	sdelay $0x1  }
0xfb: {  	v0 =	vadd.s32 v0, v1  }
0xfc: {  	[tilespmem:s10+$0xFFFFFFF0] =	vst v0  }
0xfd: {  	v0 =	vld [tilespmem:s9+$0x0];
	_ =	sdelay $0x4  }
0xfe: {  	v1 =	vshrl.u32 v0, $0x10  }
0xff: {  	v0 =	vxor.u32 v0, v1  }
0x100: {  	v0 =	vmul.u32 $0x45D9F3B, v0;
	_ =	sdelay $0x1  }
0x101: {  	v1 =	vshrl.u32 v0, $0x10  }
0x102: {  	v0 =	vxor.u32 v0, v1  }
0x103: {  	v0 =	vmul.u32 $0x45D9F3B, v0;
	_ =	sdelay $0x1  }
0x104: {  	v1 =	vshrl.u32 v0, $0x10;
	v2 =	vshrl.u32 v0, $0x15  }
0x105: {  	v0 =	vxor.u32 v0, v1  }
0x106: {  	v1 =	vshrl.u32 v0, $0x5  }
0x107: {  	v1 =	vand.u32 $0xFFFF, v1  }
0x108: {  	v3 =	vmul.u32 $0x5AC5, v2;
	v4 =	vmul.u32 $0xA7C, v1;
	v1 =	vmul.u32 $0x5AC5, v1;
	_ =	sdelay $0x1  }
0x109: {  	v3 =	vadd.s32 v3, v4;
	v1 =	vshrl.u32 v1, $0x10  }
0x10a: {  	v2 =	vmul.u32 $0xA7C, v2;
	v1 =	vadd.s32 v1, v3  }
0x10b: {  	v1 =	vshrl.u32 v1, $0x10  }
0x10c: {  	v1 =	vadd.s32 v2, v1  }
0x10d: {  	v1 =	vshrl.u32 v1, $0x7  }
0x10e: {  	v1 =	vmul.u32 $0xFFFE7960, v1;
	_ =	sdelay $0x1  }
0x10f: {  	v0 =	vadd.s32 v0, v1  }
0x110: {  	[tilespmem:s10+$0x0] =	vst v0  }
0x111: {  	v0 =	vld [tilespmem:s9+$0x10];
	_ =	sdelay $0x4  }
0x112: {  	v1 =	vshrl.u32 v0, $0x10  }
0x113: {  	v0 =	vxor.u32 v0, v1  }
0x114: {  	v0 =	vmul.u32 $0x45D9F3B, v0;
	_ =	sdelay $0x1  }
0x115: {  	v1 =	vshrl.u32 v0, $0x10  }
0x116: {  	v0 =	vxor.u32 v0, v1  }
0x117: {  	v0 =	vmul.u32 $0x45D9F3B, v0;
	_ =	sdelay $0x1  }
0x118: {  	v1 =	vshrl.u32 v0, $0x10;
	v2 =	vshrl.u32 v0, $0x15  }
0x119: {  	v0 =	vxor.u32 v0, v1  }
0x11a: {  	v1 =	vshrl.u32 v0, $0x5  }
0x11b: {  	v1 =	vand.u32 $0xFFFF, v1  }
0x11c: {  	v3 =	vmul.u32 $0x5AC5, v2;
	v4 =	vmul.u32 $0xA7C, v1;
	v1 =	vmul.u32 $0x5AC5, v1;
	_ =	sdelay $0x1  }
0x11d: {  	v3 =	vadd.s32 v3, v4;
	v1 =	vshrl.u32 v1, $0x10  }
0x11e: {  	v2 =	vmul.u32 $0xA7C, v2;
	v1 =	vadd.s32 v1, v3  }
0x11f: {  	v1 =	vshrl.u32 v1, $0x10  }
0x120: {  	v1 =	vadd.s32 v2, v1  }
0x121: {  	v1 =	vshrl.u32 v1, $0x7  }
0x122: {  	v1 =	vmul.u32 $0xFFFE7960, v1;
	_ =	sdelay $0x1  }
0x123: {  	v0 =	vadd.s32 v0, v1  }
0x124: {  	[tilespmem:s10+$0x10] =	vst v0  }
0x125: {  	v0 =	vld [tilespmem:s9+$0x20];
	_ =	sdelay $0x4  }
0x126: {  	v1 =	vshrl.u32 v0, $0x10  }
0x127: {  	v0 =	vxor.u32 v0, v1  }
0x128: {  	v0 =	vmul.u32 $0x45D9F3B, v0;
	_ =	sdelay $0x1  }
0x129: {  	v1 =	vshrl.u32 v0, $0x10  }
0x12a: {  	v0 =	vxor.u32 v0, v1  }
0x12b: {  	v0 =	vmul.u32 $0x45D9F3B, v0;
	_ =	sdelay $0x1  }
0x12c: {  	v1 =	vshrl.u32 v0, $0x10;
	v2 =	vshrl.u32 v0, $0x15  }
0x12d: {  	v0 =	vxor.u32 v0, v1  }
0x12e: {  	v1 =	vshrl.u32 v0, $0x5  }
0x12f: {  	v1 =	vand.u32 $0xFFFF, v1  }
0x130: {  	v3 =	vmul.u32 $0x5AC5, v2;
	v4 =	vmul.u32 $0xA7C, v1;
	v1 =	vmul.u32 $0x5AC5, v1;
	_ =	sdelay $0x1  }
0x131: {  	v3 =	vadd.s32 v3, v4;
	v1 =	vshrl.u32 v1, $0x10  }
0x132: {  	v2 =	vmul.u32 $0xA7C, v2;
	v1 =	vadd.s32 v1, v3  }
0x133: {  	v1 =	vshrl.u32 v1, $0x10  }
0x134: {  	v1 =	vadd.s32 v2, v1  }
0x135: {  	v1 =	vshrl.u32 v1, $0x7  }
0x136: {  	v1 =	vmul.u32 $0xFFFE7960, v1;
	_ =	sdelay $0x1  }
0x137: {  	v0 =	vadd.s32 v0, v1  }
0x138: {  	[tilespmem:s10+$0x20] =	vst v0  }
0x139: {  	v0 =	vld [tilespmem:s9+$0x30];
	_ =	sdelay $0x4  }
0x13a: {  	v1 =	vshrl.u32 v0, $0x10  }
0x13b: {  	v0 =	vxor.u32 v0, v1  }
0x13c: {  	v0 =	vmul.u32 $0x45D9F3B, v0;
	_ =	sdelay $0x1  }
0x13d: {  	v1 =	vshrl.u32 v0, $0x10  }
0x13e: {  	v0 =	vxor.u32 v0, v1  }
0x13f: {  	v0 =	vmul.u32 $0x45D9F3B, v0;
	_ =	sdelay $0x1  }
0x140: {  	v1 =	vshrl.u32 v0, $0x10;
	v2 =	vshrl.u32 v0, $0x15  }
0x141: {  	v0 =	vxor.u32 v0, v1  }
0x142: {  	v1 =	vshrl.u32 v0, $0x5  }
0x143: {  	v1 =	vand.u32 $0xFFFF, v1  }
0x144: {  	v3 =	vmul.u32 $0x5AC5, v2;
	v4 =	vmul.u32 $0xA7C, v1;
	v1 =	vmul.u32 $0x5AC5, v1;
	_ =	sdelay $0x1  }
0x145: {  	v3 =	vadd.s32 v3, v4;
	v1 =	vshrl.u32 v1, $0x10  }
0x146: {  	v2 =	vmul.u32 $0xA7C, v2;
	v1 =	vadd.s32 v1, v3  }
0x147: {  	v1 =	vshrl.u32 v1, $0x10  }
.Ltmp0:
0x148: {  	v1 =	vadd.s32 v2, v1;
	(pc) =	sbr.rel @p0 .LBB2_2-.Ltmp0, $3  }
0x149: {  	v1 =	vshrl.u32 v1, $0x7  }
0x14a: {  	v1 =	vmul.u32 $0xFFFE7960, v1;
	_ =	sdelay $0x1  }
0x14b: {  	v0 =	vadd.s32 v0, v1  }
0x14c: {  	s8 =	sadd.s32 $0x1, s8  }
0x14d: {  	p0 =	sne.s32 s8, s5  }
.Ltmp1:
0x14e: {  	[tilespmem:s10+$0x30] =	vst v0;
	(pc) =	sbr.rel @p0 .LBB2_1-.Ltmp1, $4  }
0x14f: {  	[hbm4b:s4+s2] =	stream.linear.scatter [tilespmem:s7], [sflag:$0x1], $0xC800, $0x38;
	[tilespmem:$0x19000] =	vst v63  }
0x150: {  	_ =	swait.ge [sflag:s6], $0xC800  }
0x151: {  	[sflag:s6] =	ssyncset.done $0x0  }
0x152: {  	[sflag:s6] =	ssyncadd.s32 $0xFFFF3800  }
0x153: {  	_ =	sfence.sel $0x180000  }
0x154: {  	[bflag:$0x0] =	sbarrier.arrive $0xFFFF  }
0x155: {  	p0 =	sne.s32 s0, $0x0;
	_ =	strace $0x90000047  }
0x156: {  	s0 =	sadd.s32 @!p0 $0x100000, s1;
	[bflag:$0x2] =	sbarrier.arrive $0xFFFF  }
0x157: {  	[sflag:s0] =	ssyncadd.tile.s32 @!p0 $0x1;
	_ =	shalt  }
.Lfunc_end2:
_tile_overlayer_lowered:
.L_overlay_start_2:
0x158: {  	(tag) =	ssettag $0x2  }
0x159: {  	s0 =	rddreg [dreg:$0x0];
	s2 =	stileid.u32  }
0x15a: {  	s1 =	rddreg [dreg:$0x1];
	p0 =	sne.s32 s2, $0x0  }
0x15b: {  	s3 =	rddreg [dreg:$0x2];
	[bflag:$0x3] =	sbarrier.arrive $0xFFFF;
	s2 =	simm.s32 @!p0 $0x1C01  }
0x15c: {  	[timem:s3], [sflag:s2] =	dma.local @!p0 [hbm:s0], s1  }
0x15d: {  	s0 =	simm.s32 @!p0 $0x1  }
0x15e: {  	_ =	swait.ge @!p0 [sflag:s0], s1  }
0x15f: {  	s1 =	ssub.s32 @!p0 $0x0, s1;
	[sflag:s0] =	ssyncset.done @!p0 $0x0  }
0x160: {  	[sflag:s0] =	ssyncadd.s32 @!p0 s1  }
0x161: {  	[bflag:$0x3] =	sbarrier.arrive $0xFFFF  }
0x162: {  	_ =	shalt  }

</sc_bundles>
